<compile_context>
chip_gen: v7x
topology: tpu7x:2x2x1
jax: 0.10.2.dev20260603
libtpu: 0.0.44.dev20260713+nightly
codegen_flags: <defaults>
</compile_context>

<pallas_src>
import jax
import jax.numpy as jnp
from jax import lax
from jax.experimental import pallas as pl
from jax.experimental.pallas import tpu as pltpu
from jax.experimental.pallas import tpu_sc as plsc

IOU_THRESHOLD = 0.5
ROIS_NUMBER = 256
SCORE_THRESHOLD = -1e30

_B = 16
_N = 20000
_NPAD = 20096
_NBLK = _N // 16
_C = 640
_CFIT = _C - 16
_CAP = 600
_BIG_I32 = 2**30


def _sort_key(bits):
    return bits ^ ((bits >> 31) & 0x7FFFFFFF)


def _thresh_kernel(score_ref, thr_ref, key_ref):
    bits = lax.bitcast_convert_type(score_ref[...], jnp.int32)
    key_ref[...] = _sort_key(bits)

    int_min = jnp.int32(-2**31)
    int_max = jnp.int32(2**31 - 1)
    lo = jnp.full((_B, 1), int_min, jnp.int32)
    hi = jnp.full((_B, 1), int_max, jnp.int32)

    def body(_, state):
        lo, hi = state
        mid = (lo >> 1) + (hi >> 1) + (lo & hi & 1)
        cnt = jnp.sum((key_ref[...] >= mid).astype(jnp.int32), axis=1,
                      keepdims=True)
        small = cnt <= _CAP
        return jnp.where(small, lo, mid), jnp.where(small, mid, hi)

    lo, hi = lax.fori_loop(0, 20, body, (lo, hi))
    thr = lax.bitcast_convert_type(jnp.maximum(hi, 0), jnp.float32)
    thr_ref[...] = jnp.broadcast_to(thr, (_B, 16))


def _thresholds(score):
    thr = pl.pallas_call(
        _thresh_kernel,
        out_shape=jax.ShapeDtypeStruct((_B, 16), jnp.float32),
        scratch_shapes=[pltpu.VMEM((_B, _NPAD), jnp.int32)],
    )(score)
    return thr


def _sc_body(score_hbm, x_hbm, y_hbm, w_hbm, h_hbm, thr_hbm, pad_hbm,
             cs_out, cx_out, cy_out, cw_out, ch_out, cnt_out,
             px_out, py_out, pw_out, ph_out,
             sv, xv, yv, wv, hv, thr_v, csv, cxv, cyv, cwv, chv,
             pv, pxv, pyv, pwv, phv, cntv):
    c = lax.axis_index("c")
    s = lax.axis_index("s")

    @pl.when(c == 0)
    def _work():
        pltpu.sync_copy(score_hbm.at[s], sv)
        pltpu.sync_copy(x_hbm.at[s], xv)
        pltpu.sync_copy(y_hbm.at[s], yv)
        pltpu.sync_copy(w_hbm.at[s], wv)
        pltpu.sync_copy(h_hbm.at[s], hv)
        pltpu.sync_copy(thr_hbm.at[s], thr_v)
        pltpu.sync_copy(pad_hbm.at[s], pv)

        i32 = jnp.int32
        f32 = jnp.float32
        neg_inf_v = jnp.full((16,), -jnp.inf, f32)

        def init(i, carry):
            csv[pl.ds(i * 16, 16)] = neg_inf_v
            return carry

        lax.fori_loop(0, _C // 16, init, 0)

        t_vec = thr_v[...]

        def blk(k, off):
            sc = sv[pl.ds(k * 16, 16)]
            m = sc >= t_vec
            cnt = jnp.sum(m.astype(i32))

            @pl.when(off <= _CFIT)
            def _store():
                plsc.store_compressed(csv.at[pl.ds(off, 16)], sc, mask=m)
                plsc.store_compressed(cxv.at[pl.ds(off, 16)],
                                      xv[pl.ds(k * 16, 16)], mask=m)
                plsc.store_compressed(cyv.at[pl.ds(off, 16)],
                                      yv[pl.ds(k * 16, 16)], mask=m)
                plsc.store_compressed(cwv.at[pl.ds(off, 16)],
                                      wv[pl.ds(k * 16, 16)], mask=m)
                plsc.store_compressed(chv.at[pl.ds(off, 16)],
                                      hv[pl.ds(k * 16, 16)], mask=m)

            return off + cnt

        off = lax.fori_loop(0, _NBLK, blk, jnp.int32(0))

        cntv[...] = jnp.full((16,), off, i32)

        def pad_gather(k, carry):
            idxv = pv[pl.ds(k * 16, 16)]
            pxv[pl.ds(k * 16, 16)] = plsc.load_gather(xv, [idxv])
            pyv[pl.ds(k * 16, 16)] = plsc.load_gather(yv, [idxv])
            pwv[pl.ds(k * 16, 16)] = plsc.load_gather(wv, [idxv])
            phv[pl.ds(k * 16, 16)] = plsc.load_gather(hv, [idxv])
            return carry

        lax.fori_loop(0, ROIS_NUMBER // 16, pad_gather, 0)

        pltpu.sync_copy(csv, cs_out.at[s])
        pltpu.sync_copy(cxv, cx_out.at[s])
        pltpu.sync_copy(cyv, cy_out.at[s])
        pltpu.sync_copy(cwv, cw_out.at[s])
        pltpu.sync_copy(chv, ch_out.at[s])
        pltpu.sync_copy(cntv, cnt_out.at[s])
        pltpu.sync_copy(pxv, px_out.at[s])
        pltpu.sync_copy(pyv, py_out.at[s])
        pltpu.sync_copy(pwv, pw_out.at[s])
        pltpu.sync_copy(phv, ph_out.at[s])


def _sc_stage(score, xp, yp, wp, hp, thr, pad_idx):
    f32 = jnp.float32
    i32 = jnp.int32
    out_type = [
        jax.ShapeDtypeStruct((_B, _C), f32),
        jax.ShapeDtypeStruct((_B, _C), f32),
        jax.ShapeDtypeStruct((_B, _C), f32),
        jax.ShapeDtypeStruct((_B, _C), f32),
        jax.ShapeDtypeStruct((_B, _C), f32),
        jax.ShapeDtypeStruct((_B, 16), i32),
        jax.ShapeDtypeStruct((_B, ROIS_NUMBER), f32),
        jax.ShapeDtypeStruct((_B, ROIS_NUMBER), f32),
        jax.ShapeDtypeStruct((_B, ROIS_NUMBER), f32),
        jax.ShapeDtypeStruct((_B, ROIS_NUMBER), f32),
    ]
    scratch = [
        pltpu.VMEM((_N,), f32),
        pltpu.VMEM((_N,), f32),
        pltpu.VMEM((_N,), f32),
        pltpu.VMEM((_N,), f32),
        pltpu.VMEM((_N,), f32),
        pltpu.VMEM((16,), f32),
        pltpu.VMEM((_C,), f32),
        pltpu.VMEM((_C,), f32),
        pltpu.VMEM((_C,), f32),
        pltpu.VMEM((_C,), f32),
        pltpu.VMEM((_C,), f32),
        pltpu.VMEM((ROIS_NUMBER,), i32),
        pltpu.VMEM((ROIS_NUMBER,), f32),
        pltpu.VMEM((ROIS_NUMBER,), f32),
        pltpu.VMEM((ROIS_NUMBER,), f32),
        pltpu.VMEM((ROIS_NUMBER,), f32),
        pltpu.VMEM((16,), i32),
    ]
    mesh = plsc.VectorSubcoreMesh(core_axis_name="c", subcore_axis_name="s")
    run = pl.kernel(_sc_body, out_type=out_type, mesh=mesh,
                    scratch_types=scratch,
                    compiler_params=pltpu.CompilerParams(
                        needs_layout_passes=False))
    return run(score, xp, yp, wp, hp, thr, pad_idx)


def _init_corners(score, x, y, w, h, sw_ref, x1_ref, y1_ref, x2_ref, y2_ref,
                  ar_ref):
    neg_inf = jnp.float32(-jnp.inf)
    sw_ref[...] = jnp.where(score > SCORE_THRESHOLD, score, neg_inf)
    w_str = jnp.floor(w / 2.0)
    h_str = jnp.floor(h / 2.0)
    x1 = x - w_str
    y1 = y - h_str
    x2 = x + w_str
    y2 = y + h_str
    x1_ref[...] = x1
    y1_ref[...] = y1
    x2_ref[...] = x2
    y2_ref[...] = y2
    ar_ref[...] = (x2 - x1) * (y2 - y1)


def _greedy_rounds(width, sw_ref, x_ref, y_ref, w_ref, h_ref,
                   x1_ref, y1_ref, x2_ref, y2_ref, ar_ref,
                   pad_row_fn, out_ref):
    neg_inf = jnp.float32(-jnp.inf)
    zero = jnp.float32(0.0)
    iota = lax.broadcasted_iota(jnp.int32, (_B, width), 1)

    def body(i, picks):
        sw = sw_ref[...]
        m = jnp.max(sw, axis=1, keepdims=True)
        ok = m > neg_inf
        idx = jnp.min(jnp.where(sw == m, iota, _BIG_I32), axis=1,
                      keepdims=True)

        oh = iota == idx
        gx = jnp.sum(jnp.where(oh, x_ref[...], zero), axis=1, keepdims=True)
        gy = jnp.sum(jnp.where(oh, y_ref[...], zero), axis=1, keepdims=True)
        gw = jnp.sum(jnp.where(oh, w_ref[...], zero), axis=1, keepdims=True)
        gh = jnp.sum(jnp.where(oh, h_ref[...], zero), axis=1, keepdims=True)

        bws = jnp.floor(gw / 2.0)
        bhs = jnp.floor(gh / 2.0)
        bx1 = gx - bws
        by1 = gy - bhs
        bx2 = gx + bws
        by2 = gy + bhs
        barea = (bx2 - bx1) * (by2 - by1)

        xx1 = jnp.maximum(bx1, x1_ref[...])
        yy1 = jnp.maximum(by1, y1_ref[...])
        xx2 = jnp.minimum(bx2, x2_ref[...])
        yy2 = jnp.minimum(by2, y2_ref[...])
        inter = jnp.maximum(xx2 - xx1, zero) * jnp.maximum(yy2 - yy1, zero)
        union = barea + ar_ref[...] - inter
        iou = jnp.where(union > zero,
                        inter / jnp.maximum(union, jnp.float32(1e-12)), zero)
        kill = (iou > IOU_THRESHOLD) | oh
        sw_ref[...] = jnp.where(kill, neg_inf, sw)

        g_row = jnp.concatenate([gx, gy, gw, gh], axis=1)
        row = jnp.where(ok, g_row, pad_row_fn(i))
        out_ref[pl.ds(i, 1)] = jnp.reshape(row, (1, _B, 4))
        return picks + ok.astype(jnp.int32)

    picks0 = jnp.zeros((_B, 1), jnp.int32)
    return lax.fori_loop(0, ROIS_NUMBER, body, picks0)


def _nms_fast_kernel(cs_ref, cx_ref, cy_ref, cw_ref, ch_ref, pd_ref,
                     out_ref, picks_ref,
                     swc_ref, cx1_ref, cy1_ref, cx2_ref, cy2_ref, car_ref):
    _init_corners(cs_ref[...], cx_ref[...], cy_ref[...], cw_ref[...],
                  ch_ref[...], swc_ref, cx1_ref, cy1_ref, cx2_ref, cy2_ref,
                  car_ref)

    def cand_pad_row(i):
        return jnp.reshape(pd_ref[pl.ds(i, 1)], (_B, 4))

    picks = _greedy_rounds(_C, swc_ref, cx_ref, cy_ref, cw_ref, ch_ref,
                           cx1_ref, cy1_ref, cx2_ref, cy2_ref, car_ref,
                           cand_pad_row, out_ref)
    picks_ref[...] = jnp.broadcast_to(picks, (_B, 128))


def _nms_fast(cand, pad_data):
    cs, cx, cy, cw, ch = cand
    vm = pltpu.VMEM
    f32 = jnp.float32
    return pl.pallas_call(
        _nms_fast_kernel,
        out_shape=[
            jax.ShapeDtypeStruct((ROIS_NUMBER, _B, 4), f32),
            jax.ShapeDtypeStruct((_B, 128), jnp.int32),
        ],
        scratch_shapes=[vm((_B, _C), f32)] * 6,
    )(cs, cx, cy, cw, ch, pad_data)


def _nms_slow_kernel(fs_ref, fx_ref, fy_ref, fw_ref, fh_ref, pad_ref,
                     out_ref,
                     swf_ref, fx1_ref, fy1_ref, fx2_ref, fy2_ref, far_ref):
    _init_corners(fs_ref[...], fx_ref[...], fy_ref[...], fw_ref[...],
                  fh_ref[...], swf_ref, fx1_ref, fy1_ref, fx2_ref, fy2_ref,
                  far_ref)

    neg_inf = jnp.float32(-jnp.inf)
    zero = jnp.float32(0.0)
    iota = lax.broadcasted_iota(jnp.int32, (_B, _NPAD), 1)

    def body(i, carry):
        sw = swf_ref[...]
        m = jnp.max(sw, axis=1, keepdims=True)
        ok = m > neg_inf
        idx = jnp.min(jnp.where(sw == m, iota, _BIG_I32), axis=1,
                      keepdims=True)
        pad_i = jnp.reshape(pad_ref[pl.ds(i, 1)], (_B, 1))
        idx_eff = jnp.where(ok, idx, pad_i)

        oh = iota == idx_eff
        gx = jnp.sum(jnp.where(oh, fx_ref[...], zero), axis=1, keepdims=True)
        gy = jnp.sum(jnp.where(oh, fy_ref[...], zero), axis=1, keepdims=True)
        gw = jnp.sum(jnp.where(oh, fw_ref[...], zero), axis=1, keepdims=True)
        gh = jnp.sum(jnp.where(oh, fh_ref[...], zero), axis=1, keepdims=True)

        bws = jnp.floor(gw / 2.0)
        bhs = jnp.floor(gh / 2.0)
        bx1 = gx - bws
        by1 = gy - bhs
        bx2 = gx + bws
        by2 = gy + bhs
        barea = (bx2 - bx1) * (by2 - by1)

        xx1 = jnp.maximum(bx1, fx1_ref[...])
        yy1 = jnp.maximum(by1, fy1_ref[...])
        xx2 = jnp.minimum(bx2, fx2_ref[...])
        yy2 = jnp.minimum(by2, fy2_ref[...])
        inter = jnp.maximum(xx2 - xx1, zero) * jnp.maximum(yy2 - yy1, zero)
        union = barea + far_ref[...] - inter
        iou = jnp.where(union > zero,
                        inter / jnp.maximum(union, jnp.float32(1e-12)), zero)
        kill = ok & ((iou > IOU_THRESHOLD) | oh)
        swf_ref[...] = jnp.where(kill, neg_inf, sw)

        row = jnp.concatenate([gx, gy, gw, gh], axis=1)
        out_ref[pl.ds(i, 1)] = jnp.reshape(row, (1, _B, 4))
        return carry

    lax.fori_loop(0, ROIS_NUMBER, body, jnp.int32(0))


def _nms_slow(input, pad_idx):
    planes = jnp.transpose(input, (2, 0, 1))
    pad_n = _NPAD - _N
    score = jnp.pad(planes[0], ((0, 0), (0, pad_n)),
                    constant_values=-jnp.inf)
    xp = jnp.pad(planes[1], ((0, 0), (0, pad_n)))
    yp = jnp.pad(planes[2], ((0, 0), (0, pad_n)))
    wp = jnp.pad(planes[3], ((0, 0), (0, pad_n)))
    hp = jnp.pad(planes[4], ((0, 0), (0, pad_n)))
    pad_idx3 = jnp.transpose(pad_idx, (1, 0))[:, :, None]

    vm = pltpu.VMEM
    f32 = jnp.float32
    return pl.pallas_call(
        _nms_slow_kernel,
        out_shape=jax.ShapeDtypeStruct((ROIS_NUMBER, _B, 4), f32),
        scratch_shapes=[vm((_B, _NPAD), f32)] * 6,
    )(score, xp, yp, wp, hp, pad_idx3)


@jax.jit
def kernel(input):
    b, n, _ = input.shape
    assert (b, n) == (_B, _N)

    planes = jnp.transpose(input, (2, 0, 1))
    score_pad = jnp.pad(planes[0], ((0, 0), (0, _NPAD - _N)),
                        constant_values=-jnp.inf)

    keys = jax.random.split(jax.random.PRNGKey(42), b)
    pad_idx = jax.vmap(
        lambda k: jax.random.randint(k, (ROIS_NUMBER,), 0, n, dtype=jnp.int32)
    )(keys)

    thr = _thresholds(score_pad)
    (cs, cx, cy, cw, ch, cnt16, px, py, pw, ph) = _sc_stage(
        planes[0], planes[1], planes[2], planes[3], planes[4], thr, pad_idx)

    pad_data = jnp.transpose(jnp.stack([px, py, pw, ph], axis=-1),
                             (1, 0, 2))

    out_fast, picks = _nms_fast((cs, cx, cy, cw, ch), pad_data)

    need_slow = jnp.any((picks[:, 0] < ROIS_NUMBER) | (cnt16[:, 0] > _CFIT))
    out = lax.cond(need_slow,
                   lambda: _nms_slow(input, pad_idx),
                   lambda: out_fast)

    return jnp.transpose(out, (1, 0, 2))

# --- scband reference (transcript-rebuilt; emitter-appended) ---
"""Pipeline reference for scband-non-maximum-suppression-16484084482949 (READ-ONLY COPY).

The authoritative reference and input builder live on the scoring server;
editing this copy changes nothing except your own understanding.
"""

import jax, jax.numpy as jnp
import numpy as np

IOU_THRESHOLD = 0.5
ROIS_NUMBER = 256
SCORE_THRESHOLD = -1e30


def make_corners(regs):
    x = regs[:, 0]
    y = regs[:, 1]
    w = regs[:, 2]
    h = regs[:, 3]
    w_str = jnp.floor(w / 2.0)
    h_str = jnp.floor(h / 2.0)
    return jnp.stack([x - w_str, y - h_str, x + w_str, y + h_str], axis=1)


def _iou_one_vs_all(box, boxes):
    x1 = jnp.maximum(box[0], boxes[:, 0])
    y1 = jnp.maximum(box[1], boxes[:, 1])
    x2 = jnp.minimum(box[2], boxes[:, 2])
    y2 = jnp.minimum(box[3], boxes[:, 3])
    inter = jnp.maximum(x2 - x1, 0.0) * jnp.maximum(y2 - y1, 0.0)
    area_a = (box[2] - box[0]) * (box[3] - box[1])
    areas = (boxes[:, 2] - boxes[:, 0]) * (boxes[:, 3] - boxes[:, 1])
    union = area_a + areas - inter
    return jnp.where(union > 0.0, inter / jnp.maximum(union, 1e-12), 0.0)


def _nms_single(preds, key):
    n = preds.shape[0]
    scores = preds[:, 0]
    boxes = make_corners(preds[:, 1:])
    neg_inf = jnp.float32(-jnp.inf)
    scores_w = jnp.where(scores > SCORE_THRESHOLD, scores, neg_inf)

    def body(i, state):
        sw, sel = state
        idx = jnp.argmax(sw)
        ok = sw[idx] > neg_inf
        sel = sel.at[i].set(jnp.where(ok, idx.astype(jnp.int32), jnp.int32(-1)))
        ious = _iou_one_vs_all(boxes[idx], boxes)
        suppress = ok & (ious > IOU_THRESHOLD)
        sw = jnp.where(suppress, neg_inf, sw)
        sw = sw.at[idx].set(jnp.where(ok, neg_inf, sw[idx]))
        return sw, sel

    init_sel = jnp.full((ROIS_NUMBER,), -1, dtype=jnp.int32)
    _, sel = jax.lax.fori_loop(0, ROIS_NUMBER, body, (scores_w, init_sel))
    # pad missing slots with random in-range indices (mirrors tf.random.uniform padding)
    pad = jax.random.randint(key, (ROIS_NUMBER,), 0, n, dtype=jnp.int32)
    result_indices = jnp.where(sel >= 0, sel, pad)
    # return_indices=False -> gather predictions and drop score column
    return preds[result_indices][:, 1:]


def _forward(inp):
    b = inp.shape[0]
    keys = jax.random.split(jax.random.PRNGKey(42), b)
    return jax.vmap(_nms_single)(inp, keys)


def setup_inputs(seed: int = 0) -> dict:
    key = jax.random.key(seed)
    inp = jax.random.uniform(key, (16, 20000, 5), minval=0.0, maxval=512.0, dtype=jnp.float32)
    return {"input": inp}


def reference(input) -> jnp.ndarray:
    return _forward(input)

if __name__ == "__main__":
    import jax
    _d = setup_inputs()
    print(jax.jit(kernel)(*tuple(_d.values())))

</pallas_src>

<mosaic_0001>
#map = affine_map<(d0, d1) -> (0, 0)>
module attributes {stable_mosaic.version = 14 : i64} {
  func.func @_sc_body(%arg0: i32, %arg1: i32, %arg2: memref<16x20000xf32, #tpu.memory_space<hbm>>, %arg3: memref<16x20000xf32, #tpu.memory_space<hbm>>, %arg4: memref<16x20000xf32, #tpu.memory_space<hbm>>, %arg5: memref<16x20000xf32, #tpu.memory_space<hbm>>, %arg6: memref<16x20000xf32, #tpu.memory_space<hbm>>, %arg7: memref<16x16xf32, #tpu.memory_space<hbm>>, %arg8: memref<16x256xi32, #tpu.memory_space<hbm>>, %arg9: memref<16x640xf32, #tpu.memory_space<hbm>>, %arg10: memref<16x640xf32, #tpu.memory_space<hbm>>, %arg11: memref<16x640xf32, #tpu.memory_space<hbm>>, %arg12: memref<16x640xf32, #tpu.memory_space<hbm>>, %arg13: memref<16x640xf32, #tpu.memory_space<hbm>>, %arg14: memref<16x16xi32, #tpu.memory_space<hbm>>, %arg15: memref<16x256xf32, #tpu.memory_space<hbm>>, %arg16: memref<16x256xf32, #tpu.memory_space<hbm>>, %arg17: memref<16x256xf32, #tpu.memory_space<hbm>>, %arg18: memref<16x256xf32, #tpu.memory_space<hbm>>, %arg19: memref<20000xf32, #tpu.memory_space<vmem>>, %arg20: memref<20000xf32, #tpu.memory_space<vmem>>, %arg21: memref<20000xf32, #tpu.memory_space<vmem>>, %arg22: memref<20000xf32, #tpu.memory_space<vmem>>, %arg23: memref<20000xf32, #tpu.memory_space<vmem>>, %arg24: memref<16xf32, #tpu.memory_space<vmem>>, %arg25: memref<640xf32, #tpu.memory_space<vmem>>, %arg26: memref<640xf32, #tpu.memory_space<vmem>>, %arg27: memref<640xf32, #tpu.memory_space<vmem>>, %arg28: memref<640xf32, #tpu.memory_space<vmem>>, %arg29: memref<640xf32, #tpu.memory_space<vmem>>, %arg30: memref<256xi32, #tpu.memory_space<vmem>>, %arg31: memref<256xf32, #tpu.memory_space<vmem>>, %arg32: memref<256xf32, #tpu.memory_space<vmem>>, %arg33: memref<256xf32, #tpu.memory_space<vmem>>, %arg34: memref<256xf32, #tpu.memory_space<vmem>>, %arg35: memref<16xi32, #tpu.memory_space<vmem>>) attributes {dimension_semantics = [#tpu.dimension_semantics<core_parallel>, #tpu.dimension_semantics<subcore_parallel>], iteration_bounds = array<i64: 2, 16>, scalar_prefetch = 0 : i64, scratch_operands = 17 : i64, tpu.core_type = #tpu.core_type<sc_vector_subcore>, window_params = [{transform_indices = #map}, {transform_indices = #map}, {transform_indices = #map}, {transform_indices = #map}, {transform_indices = #map}, {transform_indices = #map}, {transform_indices = #map}, {transform_indices = #map}, {transform_indices = #map}, {transform_indices = #map}, {transform_indices = #map}, {transform_indices = #map}, {transform_indices = #map}, {transform_indices = #map}, {transform_indices = #map}, {transform_indices = #map}, {transform_indices = #map}]} {
    %eq3A = arith.constant 0 : i32
    %eq3A_0 = arith.cmpi eq, %arg0, %eq3A : i32
    %convert_element_type3A = arith.extui %eq3A_0 : i1 to i32
    %cond3A = arith.constant 0 : i32
    %cond3A_1 = arith.cmpi ne, %convert_element_type3A, %cond3A : i32
    scf.if %cond3A_1 {
      "tpu.region"() ({
        %run_scoped3A = tpu.sem_alloc : memref<!tpu.dma_semaphore, #tpu.memory_space<semaphore_mem>>
        %dma_start3A = arith.constant 0 : i32
        %dma_start3A_24 = tpu.memref_slice %arg2[%arg1, %dma_start3A] : memref<16x20000xf32, #tpu.memory_space<hbm>> -> memref<1x20000xf32, #tpu.memory_space<hbm>>
        %dma_start3A_25 = tpu.memref_squeeze %dma_start3A_24 : memref<1x20000xf32, #tpu.memory_space<hbm>> -> memref<20000xf32, #tpu.memory_space<hbm>>
        %dma_start3A_26 = arith.constant 0 : i32
        %dma_start3A_27 = tpu.memref_slice %arg2[%arg1, %dma_start3A_26] : memref<16x20000xf32, #tpu.memory_space<hbm>> -> memref<1x20000xf32, #tpu.memory_space<hbm>>
        %dma_start3A_28 = tpu.memref_squeeze %dma_start3A_27 : memref<1x20000xf32, #tpu.memory_space<hbm>> -> memref<20000xf32, #tpu.memory_space<hbm>>
        tpu.enqueue_dma source(%dma_start3A_28 : memref<20000xf32, #tpu.memory_space<hbm>>) target(%arg19 : memref<20000xf32, #tpu.memory_space<vmem>>) target_semaphore(%run_scoped3A : memref<!tpu.dma_semaphore, #tpu.memory_space<semaphore_mem>>)
        %dma_wait3A = arith.constant 0 : i32
        %dma_wait3A_29 = tpu.memref_slice %arg2[%arg1, %dma_wait3A] : memref<16x20000xf32, #tpu.memory_space<hbm>> -> memref<1x20000xf32, #tpu.memory_space<hbm>>
        %dma_wait3A_30 = tpu.memref_squeeze %dma_wait3A_29 : memref<1x20000xf32, #tpu.memory_space<hbm>> -> memref<20000xf32, #tpu.memory_space<hbm>>
        %dma_wait3A_31 = arith.constant 0 : i32
        %dma_wait3A_32 = tpu.memref_slice %arg2[%arg1, %dma_wait3A_31] : memref<16x20000xf32, #tpu.memory_space<hbm>> -> memref<1x20000xf32, #tpu.memory_space<hbm>>
        %dma_wait3A_33 = tpu.memref_squeeze %dma_wait3A_32 : memref<1x20000xf32, #tpu.memory_space<hbm>> -> memref<20000xf32, #tpu.memory_space<hbm>>
        tpu.wait_dma2 semaphore(%run_scoped3A : memref<!tpu.dma_semaphore, #tpu.memory_space<semaphore_mem>>) src(%dma_wait3A_33 : memref<20000xf32, #tpu.memory_space<hbm>>) dst(%arg19 : memref<20000xf32, #tpu.memory_space<vmem>>)
        tpu.yield
      }) : () -> ()
      "tpu.region"() ({
        %run_scoped3A = tpu.sem_alloc : memref<!tpu.dma_semaphore, #tpu.memory_space<semaphore_mem>>
        %dma_start3A = arith.constant 0 : i32
        %dma_start3A_24 = tpu.memref_slice %arg3[%arg1, %dma_start3A] : memref<16x20000xf32, #tpu.memory_space<hbm>> -> memref<1x20000xf32, #tpu.memory_space<hbm>>
        %dma_start3A_25 = tpu.memref_squeeze %dma_start3A_24 : memref<1x20000xf32, #tpu.memory_space<hbm>> -> memref<20000xf32, #tpu.memory_space<hbm>>
        %dma_start3A_26 = arith.constant 0 : i32
        %dma_start3A_27 = tpu.memref_slice %arg3[%arg1, %dma_start3A_26] : memref<16x20000xf32, #tpu.memory_space<hbm>> -> memref<1x20000xf32, #tpu.memory_space<hbm>>
        %dma_start3A_28 = tpu.memref_squeeze %dma_start3A_27 : memref<1x20000xf32, #tpu.memory_space<hbm>> -> memref<20000xf32, #tpu.memory_space<hbm>>
        tpu.enqueue_dma source(%dma_start3A_28 : memref<20000xf32, #tpu.memory_space<hbm>>) target(%arg20 : memref<20000xf32, #tpu.memory_space<vmem>>) target_semaphore(%run_scoped3A : memref<!tpu.dma_semaphore, #tpu.memory_space<semaphore_mem>>)
        %dma_wait3A = arith.constant 0 : i32
        %dma_wait3A_29 = tpu.memref_slice %arg3[%arg1, %dma_wait3A] : memref<16x20000xf32, #tpu.memory_space<hbm>> -> memref<1x20000xf32, #tpu.memory_space<hbm>>
        %dma_wait3A_30 = tpu.memref_squeeze %dma_wait3A_29 : memref<1x20000xf32, #tpu.memory_space<hbm>> -> memref<20000xf32, #tpu.memory_space<hbm>>
        %dma_wait3A_31 = arith.constant 0 : i32
        %dma_wait3A_32 = tpu.memref_slice %arg3[%arg1, %dma_wait3A_31] : memref<16x20000xf32, #tpu.memory_space<hbm>> -> memref<1x20000xf32, #tpu.memory_space<hbm>>
        %dma_wait3A_33 = tpu.memref_squeeze %dma_wait3A_32 : memref<1x20000xf32, #tpu.memory_space<hbm>> -> memref<20000xf32, #tpu.memory_space<hbm>>
        tpu.wait_dma2 semaphore(%run_scoped3A : memref<!tpu.dma_semaphore, #tpu.memory_space<semaphore_mem>>) src(%dma_wait3A_33 : memref<20000xf32, #tpu.memory_space<hbm>>) dst(%arg20 : memref<20000xf32, #tpu.memory_space<vmem>>)
        tpu.yield
      }) : () -> ()
      "tpu.region"() ({
        %run_scoped3A = tpu.sem_alloc : memref<!tpu.dma_semaphore, #tpu.memory_space<semaphore_mem>>
        %dma_start3A = arith.constant 0 : i32
        %dma_start3A_24 = tpu.memref_slice %arg4[%arg1, %dma_start3A] : memref<16x20000xf32, #tpu.memory_space<hbm>> -> memref<1x20000xf32, #tpu.memory_space<hbm>>
        %dma_start3A_25 = tpu.memref_squeeze %dma_start3A_24 : memref<1x20000xf32, #tpu.memory_space<hbm>> -> memref<20000xf32, #tpu.memory_space<hbm>>
        %dma_start3A_26 = arith.constant 0 : i32
        %dma_start3A_27 = tpu.memref_slice %arg4[%arg1, %dma_start3A_26] : memref<16x20000xf32, #tpu.memory_space<hbm>> -> memref<1x20000xf32, #tpu.memory_space<hbm>>
        %dma_start3A_28 = tpu.memref_squeeze %dma_start3A_27 : memref<1x20000xf32, #tpu.memory_space<hbm>> -> memref<20000xf32, #tpu.memory_space<hbm>>
        tpu.enqueue_dma source(%dma_start3A_28 : memref<20000xf32, #tpu.memory_space<hbm>>) target(%arg21 : memref<20000xf32, #tpu.memory_space<vmem>>) target_semaphore(%run_scoped3A : memref<!tpu.dma_semaphore, #tpu.memory_space<semaphore_mem>>)
        %dma_wait3A = arith.constant 0 : i32
        %dma_wait3A_29 = tpu.memref_slice %arg4[%arg1, %dma_wait3A] : memref<16x20000xf32, #tpu.memory_space<hbm>> -> memref<1x20000xf32, #tpu.memory_space<hbm>>
        %dma_wait3A_30 = tpu.memref_squeeze %dma_wait3A_29 : memref<1x20000xf32, #tpu.memory_space<hbm>> -> memref<20000xf32, #tpu.memory_space<hbm>>
        %dma_wait3A_31 = arith.constant 0 : i32
        %dma_wait3A_32 = tpu.memref_slice %arg4[%arg1, %dma_wait3A_31] : memref<16x20000xf32, #tpu.memory_space<hbm>> -> memref<1x20000xf32, #tpu.memory_space<hbm>>
        %dma_wait3A_33 = tpu.memref_squeeze %dma_wait3A_32 : memref<1x20000xf32, #tpu.memory_space<hbm>> -> memref<20000xf32, #tpu.memory_space<hbm>>
        tpu.wait_dma2 semaphore(%run_scoped3A : memref<!tpu.dma_semaphore, #tpu.memory_space<semaphore_mem>>) src(%dma_wait3A_33 : memref<20000xf32, #tpu.memory_space<hbm>>) dst(%arg21 : memref<20000xf32, #tpu.memory_space<vmem>>)
        tpu.yield
      }) : () -> ()
      "tpu.region"() ({
        %run_scoped3A = tpu.sem_alloc : memref<!tpu.dma_semaphore, #tpu.memory_space<semaphore_mem>>
        %dma_start3A = arith.constant 0 : i32
        %dma_start3A_24 = tpu.memref_slice %arg5[%arg1, %dma_start3A] : memref<16x20000xf32, #tpu.memory_space<hbm>> -> memref<1x20000xf32, #tpu.memory_space<hbm>>
        %dma_start3A_25 = tpu.memref_squeeze %dma_start3A_24 : memref<1x20000xf32, #tpu.memory_space<hbm>> -> memref<20000xf32, #tpu.memory_space<hbm>>
        %dma_start3A_26 = arith.constant 0 : i32
        %dma_start3A_27 = tpu.memref_slice %arg5[%arg1, %dma_start3A_26] : memref<16x20000xf32, #tpu.memory_space<hbm>> -> memref<1x20000xf32, #tpu.memory_space<hbm>>
        %dma_start3A_28 = tpu.memref_squeeze %dma_start3A_27 : memref<1x20000xf32, #tpu.memory_space<hbm>> -> memref<20000xf32, #tpu.memory_space<hbm>>
        tpu.enqueue_dma source(%dma_start3A_28 : memref<20000xf32, #tpu.memory_space<hbm>>) target(%arg22 : memref<20000xf32, #tpu.memory_space<vmem>>) target_semaphore(%run_scoped3A : memref<!tpu.dma_semaphore, #tpu.memory_space<semaphore_mem>>)
        %dma_wait3A = arith.constant 0 : i32
        %dma_wait3A_29 = tpu.memref_slice %arg5[%arg1, %dma_wait3A] : memref<16x20000xf32, #tpu.memory_space<hbm>> -> memref<1x20000xf32, #tpu.memory_space<hbm>>
        %dma_wait3A_30 = tpu.memref_squeeze %dma_wait3A_29 : memref<1x20000xf32, #tpu.memory_space<hbm>> -> memref<20000xf32, #tpu.memory_space<hbm>>
        %dma_wait3A_31 = arith.constant 0 : i32
        %dma_wait3A_32 = tpu.memref_slice %arg5[%arg1, %dma_wait3A_31] : memref<16x20000xf32, #tpu.memory_space<hbm>> -> memref<1x20000xf32, #tpu.memory_space<hbm>>
        %dma_wait3A_33 = tpu.memref_squeeze %dma_wait3A_32 : memref<1x20000xf32, #tpu.memory_space<hbm>> -> memref<20000xf32, #tpu.memory_space<hbm>>
        tpu.wait_dma2 semaphore(%run_scoped3A : memref<!tpu.dma_semaphore, #tpu.memory_space<semaphore_mem>>) src(%dma_wait3A_33 : memref<20000xf32, #tpu.memory_space<hbm>>) dst(%arg22 : memref<20000xf32, #tpu.memory_space<vmem>>)
        tpu.yield
      }) : () -> ()
      "tpu.region"() ({
        %run_scoped3A = tpu.sem_alloc : memref<!tpu.dma_semaphore, #tpu.memory_space<semaphore_mem>>
        %dma_start3A = arith.constant 0 : i32
        %dma_start3A_24 = tpu.memref_slice %arg6[%arg1, %dma_start3A] : memref<16x20000xf32, #tpu.memory_space<hbm>> -> memref<1x20000xf32, #tpu.memory_space<hbm>>
        %dma_start3A_25 = tpu.memref_squeeze %dma_start3A_24 : memref<1x20000xf32, #tpu.memory_space<hbm>> -> memref<20000xf32, #tpu.memory_space<hbm>>
        %dma_start3A_26 = arith.constant 0 : i32
        %dma_start3A_27 = tpu.memref_slice %arg6[%arg1, %dma_start3A_26] : memref<16x20000xf32, #tpu.memory_space<hbm>> -> memref<1x20000xf32, #tpu.memory_space<hbm>>
        %dma_start3A_28 = tpu.memref_squeeze %dma_start3A_27 : memref<1x20000xf32, #tpu.memory_space<hbm>> -> memref<20000xf32, #tpu.memory_space<hbm>>
        tpu.enqueue_dma source(%dma_start3A_28 : memref<20000xf32, #tpu.memory_space<hbm>>) target(%arg23 : memref<20000xf32, #tpu.memory_space<vmem>>) target_semaphore(%run_scoped3A : memref<!tpu.dma_semaphore, #tpu.memory_space<semaphore_mem>>)
        %dma_wait3A = arith.constant 0 : i32
        %dma_wait3A_29 = tpu.memref_slice %arg6[%arg1, %dma_wait3A] : memref<16x20000xf32, #tpu.memory_space<hbm>> -> memref<1x20000xf32, #tpu.memory_space<hbm>>
        %dma_wait3A_30 = tpu.memref_squeeze %dma_wait3A_29 : memref<1x20000xf32, #tpu.memory_space<hbm>> -> memref<20000xf32, #tpu.memory_space<hbm>>
        %dma_wait3A_31 = arith.constant 0 : i32
        %dma_wait3A_32 = tpu.memref_slice %arg6[%arg1, %dma_wait3A_31] : memref<16x20000xf32, #tpu.memory_space<hbm>> -> memref<1x20000xf32, #tpu.memory_space<hbm>>
        %dma_wait3A_33 = tpu.memref_squeeze %dma_wait3A_32 : memref<1x20000xf32, #tpu.memory_space<hbm>> -> memref<20000xf32, #tpu.memory_space<hbm>>
        tpu.wait_dma2 semaphore(%run_scoped3A : memref<!tpu.dma_semaphore, #tpu.memory_space<semaphore_mem>>) src(%dma_wait3A_33 : memref<20000xf32, #tpu.memory_space<hbm>>) dst(%arg23 : memref<20000xf32, #tpu.memory_space<vmem>>)
        tpu.yield
      }) : () -> ()
      "tpu.region"() ({
        %run_scoped3A = tpu.sem_alloc : memref<!tpu.dma_semaphore, #tpu.memory_space<semaphore_mem>>
        %dma_start3A = arith.constant 0 : i32
        %dma_start3A_24 = tpu.memref_slice %arg7[%arg1, %dma_start3A] : memref<16x16xf32, #tpu.memory_space<hbm>> -> memref<1x16xf32, #tpu.memory_space<hbm>>
        %dma_start3A_25 = tpu.memref_squeeze %dma_start3A_24 : memref<1x16xf32, #tpu.memory_space<hbm>> -> memref<16xf32, #tpu.memory_space<hbm>>
        %dma_start3A_26 = arith.constant 0 : i32
        %dma_start3A_27 = tpu.memref_slice %arg7[%arg1, %dma_start3A_26] : memref<16x16xf32, #tpu.memory_space<hbm>> -> memref<1x16xf32, #tpu.memory_space<hbm>>
        %dma_start3A_28 = tpu.memref_squeeze %dma_start3A_27 : memref<1x16xf32, #tpu.memory_space<hbm>> -> memref<16xf32, #tpu.memory_space<hbm>>
        tpu.enqueue_dma source(%dma_start3A_28 : memref<16xf32, #tpu.memory_space<hbm>>) target(%arg24 : memref<16xf32, #tpu.memory_space<vmem>>) target_semaphore(%run_scoped3A : memref<!tpu.dma_semaphore, #tpu.memory_space<semaphore_mem>>)
        %dma_wait3A = arith.constant 0 : i32
        %dma_wait3A_29 = tpu.memref_slice %arg7[%arg1, %dma_wait3A] : memref<16x16xf32, #tpu.memory_space<hbm>> -> memref<1x16xf32, #tpu.memory_space<hbm>>
        %dma_wait3A_30 = tpu.memref_squeeze %dma_wait3A_29 : memref<1x16xf32, #tpu.memory_space<hbm>> -> memref<16xf32, #tpu.memory_space<hbm>>
        %dma_wait3A_31 = arith.constant 0 : i32
        %dma_wait3A_32 = tpu.memref_slice %arg7[%arg1, %dma_wait3A_31] : memref<16x16xf32, #tpu.memory_space<hbm>> -> memref<1x16xf32, #tpu.memory_space<hbm>>
        %dma_wait3A_33 = tpu.memref_squeeze %dma_wait3A_32 : memref<1x16xf32, #tpu.memory_space<hbm>> -> memref<16xf32, #tpu.memory_space<hbm>>
        tpu.wait_dma2 semaphore(%run_scoped3A : memref<!tpu.dma_semaphore, #tpu.memory_space<semaphore_mem>>) src(%dma_wait3A_33 : memref<16xf32, #tpu.memory_space<hbm>>) dst(%arg24 : memref<16xf32, #tpu.memory_space<vmem>>)
        tpu.yield
      }) : () -> ()
      "tpu.region"() ({
        %run_scoped3A = tpu.sem_alloc : memref<!tpu.dma_semaphore, #tpu.memory_space<semaphore_mem>>
        %dma_start3A = arith.constant 0 : i32
        %dma_start3A_24 = tpu.memref_slice %arg8[%arg1, %dma_start3A] : memref<16x256xi32, #tpu.memory_space<hbm>> -> memref<1x256xi32, #tpu.memory_space<hbm>>
        %dma_start3A_25 = tpu.memref_squeeze %dma_start3A_24 : memref<1x256xi32, #tpu.memory_space<hbm>> -> memref<256xi32, #tpu.memory_space<hbm>>
        %dma_start3A_26 = arith.constant 0 : i32
        %dma_start3A_27 = tpu.memref_slice %arg8[%arg1, %dma_start3A_26] : memref<16x256xi32, #tpu.memory_space<hbm>> -> memref<1x256xi32, #tpu.memory_space<hbm>>
        %dma_start3A_28 = tpu.memref_squeeze %dma_start3A_27 : memref<1x256xi32, #tpu.memory_space<hbm>> -> memref<256xi32, #tpu.memory_space<hbm>>
        tpu.enqueue_dma source(%dma_start3A_28 : memref<256xi32, #tpu.memory_space<hbm>>) target(%arg30 : memref<256xi32, #tpu.memory_space<vmem>>) target_semaphore(%run_scoped3A : memref<!tpu.dma_semaphore, #tpu.memory_space<semaphore_mem>>)
        %dma_wait3A = arith.constant 0 : i32
        %dma_wait3A_29 = tpu.memref_slice %arg8[%arg1, %dma_wait3A] : memref<16x256xi32, #tpu.memory_space<hbm>> -> memref<1x256xi32, #tpu.memory_space<hbm>>
        %dma_wait3A_30 = tpu.memref_squeeze %dma_wait3A_29 : memref<1x256xi32, #tpu.memory_space<hbm>> -> memref<256xi32, #tpu.memory_space<hbm>>
        %dma_wait3A_31 = arith.constant 0 : i32
        %dma_wait3A_32 = tpu.memref_slice %arg8[%arg1, %dma_wait3A_31] : memref<16x256xi32, #tpu.memory_space<hbm>> -> memref<1x256xi32, #tpu.memory_space<hbm>>
        %dma_wait3A_33 = tpu.memref_squeeze %dma_wait3A_32 : memref<1x256xi32, #tpu.memory_space<hbm>> -> memref<256xi32, #tpu.memory_space<hbm>>
        tpu.wait_dma2 semaphore(%run_scoped3A : memref<!tpu.dma_semaphore, #tpu.memory_space<semaphore_mem>>) src(%dma_wait3A_33 : memref<256xi32, #tpu.memory_space<hbm>>) dst(%arg30 : memref<256xi32, #tpu.memory_space<vmem>>)
        tpu.yield
      }) : () -> ()
      %broadcast_in_dim3A = arith.constant 0xFF800000 : f32
      %broadcast_in_dim3A_2 = vector.broadcast %broadcast_in_dim3A : f32 to vector<16xf32>
      %scan3A = arith.constant 0 : i32
      %scan3A_3 = arith.constant 0 : i32
      %scan3A_4 = arith.constant 40 : i32
      %scan3A_5 = arith.addi %scan3A_3, %scan3A_4 : i32
      %scan3A_6 = arith.constant 1 : i32
      scf.for %scan3A_24 = %scan3A_3 to %scan3A_5 step %scan3A_6  : i32 {
        %mul3A = arith.constant 16 : i32
        %mul3A_25 = arith.muli %scan3A_24, %mul3A : i32
        %swap3A_26 = arith.index_cast %mul3A_25 : i32 to index
        %swap3A_27 = tpu.vector_load %arg25[%swap3A_26] {strides = array<i32>} : memref<640xf32, #tpu.memory_space<vmem>>, vector<16xf32>,
        tpu.vector_store %arg25[%swap3A_26], %broadcast_in_dim3A_2 {strides = array<i32>} : memref<640xf32, #tpu.memory_space<vmem>>, vector<16xf32>,
      }
      %scan3A_7 = arith.constant 40 : i32
      %get3A = arith.constant 0 : index
      %get3A_8 = tpu.vector_load %arg24[%get3A] {strides = array<i32>} : memref<16xf32, #tpu.memory_space<vmem>>, vector<16xf32>,
      %scan3A_9 = arith.constant 0 : i32
      %scan3A_10 = arith.constant 0 : i32
      %scan3A_11 = arith.constant 1250 : i32
      %scan3A_12 = arith.addi %scan3A_10, %scan3A_11 : i32
      %scan3A_13 = arith.constant 1 : i32
      %scan3A_14 = scf.for %scan3A_24 = %scan3A_10 to %scan3A_12 step %scan3A_13 iter_args(%scan3A_25 = %scan3A_9) -> (i32)  : i32 {
        %mul3A = arith.constant 16 : i32
        %mul3A_26 = arith.muli %scan3A_24, %mul3A : i32
        %get3A_27 = arith.index_cast %mul3A_26 : i32 to index
        %get3A_28 = tpu.vector_load %arg19[%get3A_27] {strides = array<i32>} : memref<20000xf32, #tpu.memory_space<vmem>>, vector<16xf32>,
        %ge3A = arith.cmpf oge, %get3A_28, %get3A_8 : vector<16xf32>
        %convert_element_type3A_29 = arith.extui %ge3A : vector<16xi1> to vector<16xi32>
        %reduce_sum3A = arith.constant true
        %reduce_sum3A_30 = vector.broadcast %reduce_sum3A : i1 to vector<16xi1>
        %reduce_sum3A_31 = tpu.scan <sum>, %convert_element_type3A_29 masked %reduce_sum3A_30 : vector<16xi32>, vector<16xi1> -> vector<16xi32>
        %reduce_sum3A_32 = vector.extract %reduce_sum3A_31[15] : i32 from vector<16xi32>
        %le3A = arith.constant 624 : i32
        %le3A_33 = arith.cmpi sle, %scan3A_25, %le3A : i32
        %convert_element_type3A_34 = arith.extui %le3A_33 : i1 to i32
        %cond3A_35 = arith.constant 0 : i32
        %cond3A_36 = arith.cmpi ne, %convert_element_type3A_34, %cond3A_35 : i32
        scf.if %cond3A_36 {
          %swap3A_37 = arith.index_cast %scan3A_25 : i32 to index
          %swap3A_38 = tpu.vector_load %arg25[%swap3A_37] masked %ge3A {strides = array<i32>} : memref<640xf32, #tpu.memory_space<vmem>>, vector<16xf32>, vector<16xi1>
          tpu.vector_store %arg25[%swap3A_37], %get3A_28 masked %ge3A {strides = array<i32>} : memref<640xf32, #tpu.memory_space<vmem>>, vector<16xf32>, vector<16xi1>
          %mul3A_39 = arith.constant 16 : i32
          %mul3A_40 = arith.muli %scan3A_24, %mul3A_39 : i32
          %get3A_41 = arith.index_cast %mul3A_40 : i32 to index
          %get3A_42 = tpu.vector_load %arg20[%get3A_41] {strides = array<i32>} : memref<20000xf32, #tpu.memory_space<vmem>>, vector<16xf32>,
          %swap3A_43 = arith.index_cast %scan3A_25 : i32 to index
          %swap3A_44 = tpu.vector_load %arg26[%swap3A_43] masked %ge3A {strides = array<i32>} : memref<640xf32, #tpu.memory_space<vmem>>, vector<16xf32>, vector<16xi1>
          tpu.vector_store %arg26[%swap3A_43], %get3A_42 masked %ge3A {strides = array<i32>} : memref<640xf32, #tpu.memory_space<vmem>>, vector<16xf32>, vector<16xi1>
          %mul3A_45 = arith.constant 16 : i32
          %mul3A_46 = arith.muli %scan3A_24, %mul3A_45 : i32
          %get3A_47 = arith.index_cast %mul3A_46 : i32 to index
          %get3A_48 = tpu.vector_load %arg21[%get3A_47] {strides = array<i32>} : memref<20000xf32, #tpu.memory_space<vmem>>, vector<16xf32>,
          %swap3A_49 = arith.index_cast %scan3A_25 : i32 to index
          %swap3A_50 = tpu.vector_load %arg27[%swap3A_49] masked %ge3A {strides = array<i32>} : memref<640xf32, #tpu.memory_space<vmem>>, vector<16xf32>, vector<16xi1>
          tpu.vector_store %arg27[%swap3A_49], %get3A_48 masked %ge3A {strides = array<i32>} : memref<640xf32, #tpu.memory_space<vmem>>, vector<16xf32>, vector<16xi1>
          %mul3A_51 = arith.constant 16 : i32
          %mul3A_52 = arith.muli %scan3A_24, %mul3A_51 : i32
          %get3A_53 = arith.index_cast %mul3A_52 : i32 to index
          %get3A_54 = tpu.vector_load %arg22[%get3A_53] {strides = array<i32>} : memref<20000xf32, #tpu.memory_space<vmem>>, vector<16xf32>,
          %swap3A_55 = arith.index_cast %scan3A_25 : i32 to index
          %swap3A_56 = tpu.vector_load %arg28[%swap3A_55] masked %ge3A {strides = array<i32>} : memref<640xf32, #tpu.memory_space<vmem>>, vector<16xf32>, vector<16xi1>
          tpu.vector_store %arg28[%swap3A_55], %get3A_54 masked %ge3A {strides = array<i32>} : memref<640xf32, #tpu.memory_space<vmem>>, vector<16xf32>, vector<16xi1>
          %mul3A_57 = arith.constant 16 : i32
          %mul3A_58 = arith.muli %scan3A_24, %mul3A_57 : i32
          %get3A_59 = arith.index_cast %mul3A_58 : i32 to index
          %get3A_60 = tpu.vector_load %arg23[%get3A_59] {strides = array<i32>} : memref<20000xf32, #tpu.memory_space<vmem>>, vector<16xf32>,
          %swap3A_61 = arith.index_cast %scan3A_25 : i32 to index
          %swap3A_62 = tpu.vector_load %arg29[%swap3A_61] masked %ge3A {strides = array<i32>} : memref<640xf32, #tpu.memory_space<vmem>>, vector<16xf32>, vector<16xi1>
          tpu.vector_store %arg29[%swap3A_61], %get3A_60 masked %ge3A {strides = array<i32>} : memref<640xf32, #tpu.memory_space<vmem>>, vector<16xf32>, vector<16xi1>
        } else {
        }
        %add3A = arith.addi %scan3A_25, %reduce_sum3A_32 : i32
        scf.yield %add3A : i32
      }
      %scan3A_15 = arith.constant 1250 : i32
      %broadcast_in_dim3A_16 = vector.broadcast %scan3A_14 : i32 to vector<16xi32>
      %swap3A = arith.constant 0 : index
      %swap3A_17 = tpu.vector_load %arg35[%swap3A] {strides = array<i32>} : memref<16xi32, #tpu.memory_space<vmem>>, vector<16xi32>,
      tpu.vector_store %arg35[%swap3A], %broadcast_in_dim3A_16 {strides = array<i32>} : memref<16xi32, #tpu.memory_space<vmem>>, vector<16xi32>,
      %scan3A_18 = arith.constant 0 : i32
      %scan3A_19 = arith.constant 0 : i32
      %scan3A_20 = arith.constant 16 : i32
      %scan3A_21 = arith.addi %scan3A_19, %scan3A_20 : i32
      %scan3A_22 = arith.constant 1 : i32
      scf.for %scan3A_24 = %scan3A_19 to %scan3A_21 step %scan3A_22  : i32 {
        %mul3A = arith.constant 16 : i32
        %mul3A_25 = arith.muli %scan3A_24, %mul3A : i32
        %get3A_26 = arith.index_cast %mul3A_25 : i32 to index
        %get3A_27 = tpu.vector_load %arg30[%get3A_26] {strides = array<i32>} : memref<256xi32, #tpu.memory_space<vmem>>, vector<16xi32>,
        %gather3A = tpu.vector_load_idx %arg20[%get3A_27] : memref<20000xf32, #tpu.memory_space<vmem>>[vector<16xi32>], vector<16xf32>,
        %mul3A_28 = arith.constant 16 : i32
        %mul3A_29 = arith.muli %scan3A_24, %mul3A_28 : i32
        %swap3A_30 = arith.index_cast %mul3A_29 : i32 to index
        %swap3A_31 = tpu.vector_load %arg31[%swap3A_30] {strides = array<i32>} : memref<256xf32, #tpu.memory_space<vmem>>, vector<16xf32>,
        tpu.vector_store %arg31[%swap3A_30], %gather3A {strides = array<i32>} : memref<256xf32, #tpu.memory_space<vmem>>, vector<16xf32>,
        %gather3A_32 = tpu.vector_load_idx %arg21[%get3A_27] : memref<20000xf32, #tpu.memory_space<vmem>>[vector<16xi32>], vector<16xf32>,
        %mul3A_33 = arith.constant 16 : i32
        %mul3A_34 = arith.muli %scan3A_24, %mul3A_33 : i32
        %swap3A_35 = arith.index_cast %mul3A_34 : i32 to index
        %swap3A_36 = tpu.vector_load %arg32[%swap3A_35] {strides = array<i32>} : memref<256xf32, #tpu.memory_space<vmem>>, vector<16xf32>,
        tpu.vector_store %arg32[%swap3A_35], %gather3A_32 {strides = array<i32>} : memref<256xf32, #tpu.memory_space<vmem>>, vector<16xf32>,
        %gather3A_37 = tpu.vector_load_idx %arg22[%get3A_27] : memref<20000xf32, #tpu.memory_space<vmem>>[vector<16xi32>], vector<16xf32>,
        %mul3A_38 = arith.constant 16 : i32
        %mul3A_39 = arith.muli %scan3A_24, %mul3A_38 : i32
        %swap3A_40 = arith.index_cast %mul3A_39 : i32 to index
        %swap3A_41 = tpu.vector_load %arg33[%swap3A_40] {strides = array<i32>} : memref<256xf32, #tpu.memory_space<vmem>>, vector<16xf32>,
        tpu.vector_store %arg33[%swap3A_40], %gather3A_37 {strides = array<i32>} : memref<256xf32, #tpu.memory_space<vmem>>, vector<16xf32>,
        %gather3A_42 = tpu.vector_load_idx %arg23[%get3A_27] : memref<20000xf32, #tpu.memory_space<vmem>>[vector<16xi32>], vector<16xf32>,
        %mul3A_43 = arith.constant 16 : i32
        %mul3A_44 = arith.muli %scan3A_24, %mul3A_43 : i32
        %swap3A_45 = arith.index_cast %mul3A_44 : i32 to index
        %swap3A_46 = tpu.vector_load %arg34[%swap3A_45] {strides = array<i32>} : memref<256xf32, #tpu.memory_space<vmem>>, vector<16xf32>,
        tpu.vector_store %arg34[%swap3A_45], %gather3A_42 {strides = array<i32>} : memref<256xf32, #tpu.memory_space<vmem>>, vector<16xf32>,
      }
      %scan3A_23 = arith.constant 16 : i32
      "tpu.region"() ({
        %run_scoped3A = tpu.sem_alloc : memref<!tpu.dma_semaphore, #tpu.memory_space<semaphore_mem>>
        %dma_start3A = arith.constant 0 : i32
        %dma_start3A_24 = tpu.memref_slice %arg9[%arg1, %dma_start3A] : memref<16x640xf32, #tpu.memory_space<hbm>> -> memref<1x640xf32, #tpu.memory_space<hbm>>
        %dma_start3A_25 = tpu.memref_squeeze %dma_start3A_24 : memref<1x640xf32, #tpu.memory_space<hbm>> -> memref<640xf32, #tpu.memory_space<hbm>>
        %dma_start3A_26 = arith.constant 0 : i32
        %dma_start3A_27 = tpu.memref_slice %arg9[%arg1, %dma_start3A_26] : memref<16x640xf32, #tpu.memory_space<hbm>> -> memref<1x640xf32, #tpu.memory_space<hbm>>
        %dma_start3A_28 = tpu.memref_squeeze %dma_start3A_27 : memref<1x640xf32, #tpu.memory_space<hbm>> -> memref<640xf32, #tpu.memory_space<hbm>>
        tpu.enqueue_dma source(%arg25 : memref<640xf32, #tpu.memory_space<vmem>>) target(%dma_start3A_28 : memref<640xf32, #tpu.memory_space<hbm>>) target_semaphore(%run_scoped3A : memref<!tpu.dma_semaphore, #tpu.memory_space<semaphore_mem>>)
        %dma_wait3A = arith.constant 0 : i32
        %dma_wait3A_29 = tpu.memref_slice %arg9[%arg1, %dma_wait3A] : memref<16x640xf32, #tpu.memory_space<hbm>> -> memref<1x640xf32, #tpu.memory_space<hbm>>
        %dma_wait3A_30 = tpu.memref_squeeze %dma_wait3A_29 : memref<1x640xf32, #tpu.memory_space<hbm>> -> memref<640xf32, #tpu.memory_space<hbm>>
        %dma_wait3A_31 = arith.constant 0 : i32
        %dma_wait3A_32 = tpu.memref_slice %arg9[%arg1, %dma_wait3A_31] : memref<16x640xf32, #tpu.memory_space<hbm>> -> memref<1x640xf32, #tpu.memory_space<hbm>>
        %dma_wait3A_33 = tpu.memref_squeeze %dma_wait3A_32 : memref<1x640xf32, #tpu.memory_space<hbm>> -> memref<640xf32, #tpu.memory_space<hbm>>
        tpu.wait_dma2 semaphore(%run_scoped3A : memref<!tpu.dma_semaphore, #tpu.memory_space<semaphore_mem>>) src(%arg25 : memref<640xf32, #tpu.memory_space<vmem>>) dst(%dma_wait3A_33 : memref<640xf32, #tpu.memory_space<hbm>>)
        tpu.yield
      }) : () -> ()
      "tpu.region"() ({
        %run_scoped3A = tpu.sem_alloc : memref<!tpu.dma_semaphore, #tpu.memory_space<semaphore_mem>>
        %dma_start3A = arith.constant 0 : i32
        %dma_start3A_24 = tpu.memref_slice %arg10[%arg1, %dma_start3A] : memref<16x640xf32, #tpu.memory_space<hbm>> -> memref<1x640xf32, #tpu.memory_space<hbm>>
        %dma_start3A_25 = tpu.memref_squeeze %dma_start3A_24 : memref<1x640xf32, #tpu.memory_space<hbm>> -> memref<640xf32, #tpu.memory_space<hbm>>
        %dma_start3A_26 = arith.constant 0 : i32
        %dma_start3A_27 = tpu.memref_slice %arg10[%arg1, %dma_start3A_26] : memref<16x640xf32, #tpu.memory_space<hbm>> -> memref<1x640xf32, #tpu.memory_space<hbm>>
        %dma_start3A_28 = tpu.memref_squeeze %dma_start3A_27 : memref<1x640xf32, #tpu.memory_space<hbm>> -> memref<640xf32, #tpu.memory_space<hbm>>
        tpu.enqueue_dma source(%arg26 : memref<640xf32, #tpu.memory_space<vmem>>) target(%dma_start3A_28 : memref<640xf32, #tpu.memory_space<hbm>>) target_semaphore(%run_scoped3A : memref<!tpu.dma_semaphore, #tpu.memory_space<semaphore_mem>>)
        %dma_wait3A = arith.constant 0 : i32
        %dma_wait3A_29 = tpu.memref_slice %arg10[%arg1, %dma_wait3A] : memref<16x640xf32, #tpu.memory_space<hbm>> -> memref<1x640xf32, #tpu.memory_space<hbm>>
        %dma_wait3A_30 = tpu.memref_squeeze %dma_wait3A_29 : memref<1x640xf32, #tpu.memory_space<hbm>> -> memref<640xf32, #tpu.memory_space<hbm>>
        %dma_wait3A_31 = arith.constant 0 : i32
        %dma_wait3A_32 = tpu.memref_slice %arg10[%arg1, %dma_wait3A_31] : memref<16x640xf32, #tpu.memory_space<hbm>> -> memref<1x640xf32, #tpu.memory_space<hbm>>
        %dma_wait3A_33 = tpu.memref_squeeze %dma_wait3A_32 : memref<1x640xf32, #tpu.memory_space<hbm>> -> memref<640xf32, #tpu.memory_space<hbm>>
        tpu.wait_dma2 semaphore(%run_scoped3A : memref<!tpu.dma_semaphore, #tpu.memory_space<semaphore_mem>>) src(%arg26 : memref<640xf32, #tpu.memory_space<vmem>>) dst(%dma_wait3A_33 : memref<640xf32, #tpu.memory_space<hbm>>)
        tpu.yield
      }) : () -> ()
      "tpu.region"() ({
        %run_scoped3A = tpu.sem_alloc : memref<!tpu.dma_semaphore, #tpu.memory_space<semaphore_mem>>
        %dma_start3A = arith.constant 0 : i32
        %dma_start3A_24 = tpu.memref_slice %arg11[%arg1, %dma_start3A] : memref<16x640xf32, #tpu.memory_space<hbm>> -> memref<1x640xf32, #tpu.memory_space<hbm>>
        %dma_start3A_25 = tpu.memref_squeeze %dma_start3A_24 : memref<1x640xf32, #tpu.memory_space<hbm>> -> memref<640xf32, #tpu.memory_space<hbm>>
        %dma_start3A_26 = arith.constant 0 : i32
        %dma_start3A_27 = tpu.memref_slice %arg11[%arg1, %dma_start3A_26] : memref<16x640xf32, #tpu.memory_space<hbm>> -> memref<1x640xf32, #tpu.memory_space<hbm>>
        %dma_start3A_28 = tpu.memref_squeeze %dma_start3A_27 : memref<1x640xf32, #tpu.memory_space<hbm>> -> memref<640xf32, #tpu.memory_space<hbm>>
        tpu.enqueue_dma source(%arg27 : memref<640xf32, #tpu.memory_space<vmem>>) target(%dma_start3A_28 : memref<640xf32, #tpu.memory_space<hbm>>) target_semaphore(%run_scoped3A : memref<!tpu.dma_semaphore, #tpu.memory_space<semaphore_mem>>)
        %dma_wait3A = arith.constant 0 : i32
        %dma_wait3A_29 = tpu.memref_slice %arg11[%arg1, %dma_wait3A] : memref<16x640xf32, #tpu.memory_space<hbm>> -> memref<1x640xf32, #tpu.memory_space<hbm>>
        %dma_wait3A_30 = tpu.memref_squeeze %dma_wait3A_29 : memref<1x640xf32, #tpu.memory_space<hbm>> -> memref<640xf32, #tpu.memory_space<hbm>>
        %dma_wait3A_31 = arith.constant 0 : i32
        %dma_wait3A_32 = tpu.memref_slice %arg11[%arg1, %dma_wait3A_31] : memref<16x640xf32, #tpu.memory_space<hbm>> -> memref<1x640xf32, #tpu.memory_space<hbm>>
        %dma_wait3A_33 = tpu.memref_squeeze %dma_wait3A_32 : memref<1x640xf32, #tpu.memory_space<hbm>> -> memref<640xf32, #tpu.memory_space<hbm>>
        tpu.wait_dma2 semaphore(%run_scoped3A : memref<!tpu.dma_semaphore, #tpu.memory_space<semaphore_mem>>) src(%arg27 : memref<640xf32, #tpu.memory_space<vmem>>) dst(%dma_wait3A_33 : memref<640xf32, #tpu.memory_space<hbm>>)
        tpu.yield
      }) : () -> ()
      "tpu.region"() ({
        %run_scoped3A = tpu.sem_alloc : memref<!tpu.dma_semaphore, #tpu.memory_space<semaphore_mem>>
        %dma_start3A = arith.constant 0 : i32
        %dma_start3A_24 = tpu.memref_slice %arg12[%arg1, %dma_start3A] : memref<16x640xf32, #tpu.memory_space<hbm>> -> memref<1x640xf32, #tpu.memory_space<hbm>>
        %dma_start3A_25 = tpu.memref_squeeze %dma_start3A_24 : memref<1x640xf32, #tpu.memory_space<hbm>> -> memref<640xf32, #tpu.memory_space<hbm>>
        %dma_start3A_26 = arith.constant 0 : i32
        %dma_start3A_27 = tpu.memref_slice %arg12[%arg1, %dma_start3A_26] : memref<16x640xf32, #tpu.memory_space<hbm>> -> memref<1x640xf32, #tpu.memory_space<hbm>>
        %dma_start3A_28 = tpu.memref_squeeze %dma_start3A_27 : memref<1x640xf32, #tpu.memory_space<hbm>> -> memref<640xf32, #tpu.memory_space<hbm>>
        tpu.enqueue_dma source(%arg28 : memref<640xf32, #tpu.memory_space<vmem>>) target(%dma_start3A_28 : memref<640xf32, #tpu.memory_space<hbm>>) target_semaphore(%run_scoped3A : memref<!tpu.dma_semaphore, #tpu.memory_space<semaphore_mem>>)
        %dma_wait3A = arith.constant 0 : i32
        %dma_wait3A_29 = tpu.memref_slice %arg12[%arg1, %dma_wait3A] : memref<16x640xf32, #tpu.memory_space<hbm>> -> memref<1x640xf32, #tpu.memory_space<hbm>>
        %dma_wait3A_30 = tpu.memref_squeeze %dma_wait3A_29 : memref<1x640xf32, #tpu.memory_space<hbm>> -> memref<640xf32, #tpu.memory_space<hbm>>
        %dma_wait3A_31 = arith.constant 0 : i32
        %dma_wait3A_32 = tpu.memref_slice %arg12[%arg1, %dma_wait3A_31] : memref<16x640xf32, #tpu.memory_space<hbm>> -> memref<1x640xf32, #tpu.memory_space<hbm>>
        %dma_wait3A_33 = tpu.memref_squeeze %dma_wait3A_32 : memref<1x640xf32, #tpu.memory_space<hbm>> -> memref<640xf32, #tpu.memory_space<hbm>>
        tpu.wait_dma2 semaphore(%run_scoped3A : memref<!tpu.dma_semaphore, #tpu.memory_space<semaphore_mem>>) src(%arg28 : memref<640xf32, #tpu.memory_space<vmem>>) dst(%dma_wait3A_33 : memref<640xf32, #tpu.memory_space<hbm>>)
        tpu.yield
      }) : () -> ()
      "tpu.region"() ({
        %run_scoped3A = tpu.sem_alloc : memref<!tpu.dma_semaphore, #tpu.memory_space<semaphore_mem>>
        %dma_start3A = arith.constant 0 : i32
        %dma_start3A_24 = tpu.memref_slice %arg13[%arg1, %dma_start3A] : memref<16x640xf32, #tpu.memory_space<hbm>> -> memref<1x640xf32, #tpu.memory_space<hbm>>
        %dma_start3A_25 = tpu.memref_squeeze %dma_start3A_24 : memref<1x640xf32, #tpu.memory_space<hbm>> -> memref<640xf32, #tpu.memory_space<hbm>>
        %dma_start3A_26 = arith.constant 0 : i32
        %dma_start3A_27 = tpu.memref_slice %arg13[%arg1, %dma_start3A_26] : memref<16x640xf32, #tpu.memory_space<hbm>> -> memref<1x640xf32, #tpu.memory_space<hbm>>
        %dma_start3A_28 = tpu.memref_squeeze %dma_start3A_27 : memref<1x640xf32, #tpu.memory_space<hbm>> -> memref<640xf32, #tpu.memory_space<hbm>>
        tpu.enqueue_dma source(%arg29 : memref<640xf32, #tpu.memory_space<vmem>>) target(%dma_start3A_28 : memref<640xf32, #tpu.memory_space<hbm>>) target_semaphore(%run_scoped3A : memref<!tpu.dma_semaphore, #tpu.memory_space<semaphore_mem>>)
        %dma_wait3A = arith.constant 0 : i32
        %dma_wait3A_29 = tpu.memref_slice %arg13[%arg1, %dma_wait3A] : memref<16x640xf32, #tpu.memory_space<hbm>> -> memref<1x640xf32, #tpu.memory_space<hbm>>
        %dma_wait3A_30 = tpu.memref_squeeze %dma_wait3A_29 : memref<1x640xf32, #tpu.memory_space<hbm>> -> memref<640xf32, #tpu.memory_space<hbm>>
        %dma_wait3A_31 = arith.constant 0 : i32
        %dma_wait3A_32 = tpu.memref_slice %arg13[%arg1, %dma_wait3A_31] : memref<16x640xf32, #tpu.memory_space<hbm>> -> memref<1x640xf32, #tpu.memory_space<hbm>>
        %dma_wait3A_33 = tpu.memref_squeeze %dma_wait3A_32 : memref<1x640xf32, #tpu.memory_space<hbm>> -> memref<640xf32, #tpu.memory_space<hbm>>
        tpu.wait_dma2 semaphore(%run_scoped3A : memref<!tpu.dma_semaphore, #tpu.memory_space<semaphore_mem>>) src(%arg29 : memref<640xf32, #tpu.memory_space<vmem>>) dst(%dma_wait3A_33 : memref<640xf32, #tpu.memory_space<hbm>>)
        tpu.yield
      }) : () -> ()
      "tpu.region"() ({
        %run_scoped3A = tpu.sem_alloc : memref<!tpu.dma_semaphore, #tpu.memory_space<semaphore_mem>>
        %dma_start3A = arith.constant 0 : i32
        %dma_start3A_24 = tpu.memref_slice %arg14[%arg1, %dma_start3A] : memref<16x16xi32, #tpu.memory_space<hbm>> -> memref<1x16xi32, #tpu.memory_space<hbm>>
        %dma_start3A_25 = tpu.memref_squeeze %dma_start3A_24 : memref<1x16xi32, #tpu.memory_space<hbm>> -> memref<16xi32, #tpu.memory_space<hbm>>
        %dma_start3A_26 = arith.constant 0 : i32
        %dma_start3A_27 = tpu.memref_slice %arg14[%arg1, %dma_start3A_26] : memref<16x16xi32, #tpu.memory_space<hbm>> -> memref<1x16xi32, #tpu.memory_space<hbm>>
        %dma_start3A_28 = tpu.memref_squeeze %dma_start3A_27 : memref<1x16xi32, #tpu.memory_space<hbm>> -> memref<16xi32, #tpu.memory_space<hbm>>
        tpu.enqueue_dma source(%arg35 : memref<16xi32, #tpu.memory_space<vmem>>) target(%dma_start3A_28 : memref<16xi32, #tpu.memory_space<hbm>>) target_semaphore(%run_scoped3A : memref<!tpu.dma_semaphore, #tpu.memory_space<semaphore_mem>>)
        %dma_wait3A = arith.constant 0 : i32
        %dma_wait3A_29 = tpu.memref_slice %arg14[%arg1, %dma_wait3A] : memref<16x16xi32, #tpu.memory_space<hbm>> -> memref<1x16xi32, #tpu.memory_space<hbm>>
        %dma_wait3A_30 = tpu.memref_squeeze %dma_wait3A_29 : memref<1x16xi32, #tpu.memory_space<hbm>> -> memref<16xi32, #tpu.memory_space<hbm>>
        %dma_wait3A_31 = arith.constant 0 : i32
        %dma_wait3A_32 = tpu.memref_slice %arg14[%arg1, %dma_wait3A_31] : memref<16x16xi32, #tpu.memory_space<hbm>> -> memref<1x16xi32, #tpu.memory_space<hbm>>
        %dma_wait3A_33 = tpu.memref_squeeze %dma_wait3A_32 : memref<1x16xi32, #tpu.memory_space<hbm>> -> memref<16xi32, #tpu.memory_space<hbm>>
        tpu.wait_dma2 semaphore(%run_scoped3A : memref<!tpu.dma_semaphore, #tpu.memory_space<semaphore_mem>>) src(%arg35 : memref<16xi32, #tpu.memory_space<vmem>>) dst(%dma_wait3A_33 : memref<16xi32, #tpu.memory_space<hbm>>)
        tpu.yield
      }) : () -> ()
      "tpu.region"() ({
        %run_scoped3A = tpu.sem_alloc : memref<!tpu.dma_semaphore, #tpu.memory_space<semaphore_mem>>
        %dma_start3A = arith.constant 0 : i32
        %dma_start3A_24 = tpu.memref_slice %arg15[%arg1, %dma_start3A] : memref<16x256xf32, #tpu.memory_space<hbm>> -> memref<1x256xf32, #tpu.memory_space<hbm>>
        %dma_start3A_25 = tpu.memref_squeeze %dma_start3A_24 : memref<1x256xf32, #tpu.memory_space<hbm>> -> memref<256xf32, #tpu.memory_space<hbm>>
        %dma_start3A_26 = arith.constant 0 : i32
        %dma_start3A_27 = tpu.memref_slice %arg15[%arg1, %dma_start3A_26] : memref<16x256xf32, #tpu.memory_space<hbm>> -> memref<1x256xf32, #tpu.memory_space<hbm>>
        %dma_start3A_28 = tpu.memref_squeeze %dma_start3A_27 : memref<1x256xf32, #tpu.memory_space<hbm>> -> memref<256xf32, #tpu.memory_space<hbm>>
        tpu.enqueue_dma source(%arg31 : memref<256xf32, #tpu.memory_space<vmem>>) target(%dma_start3A_28 : memref<256xf32, #tpu.memory_space<hbm>>) target_semaphore(%run_scoped3A : memref<!tpu.dma_semaphore, #tpu.memory_space<semaphore_mem>>)
        %dma_wait3A = arith.constant 0 : i32
        %dma_wait3A_29 = tpu.memref_slice %arg15[%arg1, %dma_wait3A] : memref<16x256xf32, #tpu.memory_space<hbm>> -> memref<1x256xf32, #tpu.memory_space<hbm>>
        %dma_wait3A_30 = tpu.memref_squeeze %dma_wait3A_29 : memref<1x256xf32, #tpu.memory_space<hbm>> -> memref<256xf32, #tpu.memory_space<hbm>>
        %dma_wait3A_31 = arith.constant 0 : i32
        %dma_wait3A_32 = tpu.memref_slice %arg15[%arg1, %dma_wait3A_31] : memref<16x256xf32, #tpu.memory_space<hbm>> -> memref<1x256xf32, #tpu.memory_space<hbm>>
        %dma_wait3A_33 = tpu.memref_squeeze %dma_wait3A_32 : memref<1x256xf32, #tpu.memory_space<hbm>> -> memref<256xf32, #tpu.memory_space<hbm>>
        tpu.wait_dma2 semaphore(%run_scoped3A : memref<!tpu.dma_semaphore, #tpu.memory_space<semaphore_mem>>) src(%arg31 : memref<256xf32, #tpu.memory_space<vmem>>) dst(%dma_wait3A_33 : memref<256xf32, #tpu.memory_space<hbm>>)
        tpu.yield
      }) : () -> ()
      "tpu.region"() ({
        %run_scoped3A = tpu.sem_alloc : memref<!tpu.dma_semaphore, #tpu.memory_space<semaphore_mem>>
        %dma_start3A = arith.constant 0 : i32
        %dma_start3A_24 = tpu.memref_slice %arg16[%arg1, %dma_start3A] : memref<16x256xf32, #tpu.memory_space<hbm>> -> memref<1x256xf32, #tpu.memory_space<hbm>>
        %dma_start3A_25 = tpu.memref_squeeze %dma_start3A_24 : memref<1x256xf32, #tpu.memory_space<hbm>> -> memref<256xf32, #tpu.memory_space<hbm>>
        %dma_start3A_26 = arith.constant 0 : i32
        %dma_start3A_27 = tpu.memref_slice %arg16[%arg1, %dma_start3A_26] : memref<16x256xf32, #tpu.memory_space<hbm>> -> memref<1x256xf32, #tpu.memory_space<hbm>>
        %dma_start3A_28 = tpu.memref_squeeze %dma_start3A_27 : memref<1x256xf32, #tpu.memory_space<hbm>> -> memref<256xf32, #tpu.memory_space<hbm>>
        tpu.enqueue_dma source(%arg32 : memref<256xf32, #tpu.memory_space<vmem>>) target(%dma_start3A_28 : memref<256xf32, #tpu.memory_space<hbm>>) target_semaphore(%run_scoped3A : memref<!tpu.dma_semaphore, #tpu.memory_space<semaphore_mem>>)
        %dma_wait3A = arith.constant 0 : i32
        %dma_wait3A_29 = tpu.memref_slice %arg16[%arg1, %dma_wait3A] : memref<16x256xf32, #tpu.memory_space<hbm>> -> memref<1x256xf32, #tpu.memory_space<hbm>>
        %dma_wait3A_30 = tpu.memref_squeeze %dma_wait3A_29 : memref<1x256xf32, #tpu.memory_space<hbm>> -> memref<256xf32, #tpu.memory_space<hbm>>
        %dma_wait3A_31 = arith.constant 0 : i32
        %dma_wait3A_32 = tpu.memref_slice %arg16[%arg1, %dma_wait3A_31] : memref<16x256xf32, #tpu.memory_space<hbm>> -> memref<1x256xf32, #tpu.memory_space<hbm>>
        %dma_wait3A_33 = tpu.memref_squeeze %dma_wait3A_32 : memref<1x256xf32, #tpu.memory_space<hbm>> -> memref<256xf32, #tpu.memory_space<hbm>>
        tpu.wait_dma2 semaphore(%run_scoped3A : memref<!tpu.dma_semaphore, #tpu.memory_space<semaphore_mem>>) src(%arg32 : memref<256xf32, #tpu.memory_space<vmem>>) dst(%dma_wait3A_33 : memref<256xf32, #tpu.memory_space<hbm>>)
        tpu.yield
      }) : () -> ()
      "tpu.region"() ({
        %run_scoped3A = tpu.sem_alloc : memref<!tpu.dma_semaphore, #tpu.memory_space<semaphore_mem>>
        %dma_start3A = arith.constant 0 : i32
        %dma_start3A_24 = tpu.memref_slice %arg17[%arg1, %dma_start3A] : memref<16x256xf32, #tpu.memory_space<hbm>> -> memref<1x256xf32, #tpu.memory_space<hbm>>
        %dma_start3A_25 = tpu.memref_squeeze %dma_start3A_24 : memref<1x256xf32, #tpu.memory_space<hbm>> -> memref<256xf32, #tpu.memory_space<hbm>>
        %dma_start3A_26 = arith.constant 0 : i32
        %dma_start3A_27 = tpu.memref_slice %arg17[%arg1, %dma_start3A_26] : memref<16x256xf32, #tpu.memory_space<hbm>> -> memref<1x256xf32, #tpu.memory_space<hbm>>
        %dma_start3A_28 = tpu.memref_squeeze %dma_start3A_27 : memref<1x256xf32, #tpu.memory_space<hbm>> -> memref<256xf32, #tpu.memory_space<hbm>>
        tpu.enqueue_dma source(%arg33 : memref<256xf32, #tpu.memory_space<vmem>>) target(%dma_start3A_28 : memref<256xf32, #tpu.memory_space<hbm>>) target_semaphore(%run_scoped3A : memref<!tpu.dma_semaphore, #tpu.memory_space<semaphore_mem>>)
        %dma_wait3A = arith.constant 0 : i32
        %dma_wait3A_29 = tpu.memref_slice %arg17[%arg1, %dma_wait3A] : memref<16x256xf32, #tpu.memory_space<hbm>> -> memref<1x256xf32, #tpu.memory_space<hbm>>
        %dma_wait3A_30 = tpu.memref_squeeze %dma_wait3A_29 : memref<1x256xf32, #tpu.memory_space<hbm>> -> memref<256xf32, #tpu.memory_space<hbm>>
        %dma_wait3A_31 = arith.constant 0 : i32
        %dma_wait3A_32 = tpu.memref_slice %arg17[%arg1, %dma_wait3A_31] : memref<16x256xf32, #tpu.memory_space<hbm>> -> memref<1x256xf32, #tpu.memory_space<hbm>>
        %dma_wait3A_33 = tpu.memref_squeeze %dma_wait3A_32 : memref<1x256xf32, #tpu.memory_space<hbm>> -> memref<256xf32, #tpu.memory_space<hbm>>
        tpu.wait_dma2 semaphore(%run_scoped3A : memref<!tpu.dma_semaphore, #tpu.memory_space<semaphore_mem>>) src(%arg33 : memref<256xf32, #tpu.memory_space<vmem>>) dst(%dma_wait3A_33 : memref<256xf32, #tpu.memory_space<hbm>>)
        tpu.yield
      }) : () -> ()
      "tpu.region"() ({
        %run_scoped3A = tpu.sem_alloc : memref<!tpu.dma_semaphore, #tpu.memory_space<semaphore_mem>>
        %dma_start3A = arith.constant 0 : i32
        %dma_start3A_24 = tpu.memref_slice %arg18[%arg1, %dma_start3A] : memref<16x256xf32, #tpu.memory_space<hbm>> -> memref<1x256xf32, #tpu.memory_space<hbm>>
        %dma_start3A_25 = tpu.memref_squeeze %dma_start3A_24 : memref<1x256xf32, #tpu.memory_space<hbm>> -> memref<256xf32, #tpu.memory_space<hbm>>
        %dma_start3A_26 = arith.constant 0 : i32
        %dma_start3A_27 = tpu.memref_slice %arg18[%arg1, %dma_start3A_26] : memref<16x256xf32, #tpu.memory_space<hbm>> -> memref<1x256xf32, #tpu.memory_space<hbm>>
        %dma_start3A_28 = tpu.memref_squeeze %dma_start3A_27 : memref<1x256xf32, #tpu.memory_space<hbm>> -> memref<256xf32, #tpu.memory_space<hbm>>
        tpu.enqueue_dma source(%arg34 : memref<256xf32, #tpu.memory_space<vmem>>) target(%dma_start3A_28 : memref<256xf32, #tpu.memory_space<hbm>>) target_semaphore(%run_scoped3A : memref<!tpu.dma_semaphore, #tpu.memory_space<semaphore_mem>>)
        %dma_wait3A = arith.constant 0 : i32
        %dma_wait3A_29 = tpu.memref_slice %arg18[%arg1, %dma_wait3A] : memref<16x256xf32, #tpu.memory_space<hbm>> -> memref<1x256xf32, #tpu.memory_space<hbm>>
        %dma_wait3A_30 = tpu.memref_squeeze %dma_wait3A_29 : memref<1x256xf32, #tpu.memory_space<hbm>> -> memref<256xf32, #tpu.memory_space<hbm>>
        %dma_wait3A_31 = arith.constant 0 : i32
        %dma_wait3A_32 = tpu.memref_slice %arg18[%arg1, %dma_wait3A_31] : memref<16x256xf32, #tpu.memory_space<hbm>> -> memref<1x256xf32, #tpu.memory_space<hbm>>
        %dma_wait3A_33 = tpu.memref_squeeze %dma_wait3A_32 : memref<1x256xf32, #tpu.memory_space<hbm>> -> memref<256xf32, #tpu.memory_space<hbm>>
        tpu.wait_dma2 semaphore(%run_scoped3A : memref<!tpu.dma_semaphore, #tpu.memory_space<semaphore_mem>>) src(%arg34 : memref<256xf32, #tpu.memory_space<vmem>>) dst(%dma_wait3A_33 : memref<256xf32, #tpu.memory_space<hbm>>)
        tpu.yield
      }) : () -> ()
    } else {
    }
    return
  }
}

module attributes {stable_mosaic.version = 14 : i64} {
  func.func @_thresh_kernel(%arg0: memref<16x20096xf32, #tpu.memory_space<vmem>>, %arg1: memref<16x16xf32, #tpu.memory_space<vmem>>, %arg2: memref<16x20096xi32, #tpu.memory_space<vmem>>) attributes {dimension_semantics = [], scalar_prefetch = 0 : i64, scratch_operands = 1 : i64, tpu.core_type = #tpu.core_type<tc>} {
    %get3A = arith.constant 0 : index
    %get3A_0 = arith.constant 0 : index
    %get3A_1 = vector.load %arg0[%get3A, %get3A_0] : memref<16x20096xf32, #tpu.memory_space<vmem>>, vector<16x20096xf32>
    %bitcast_convert_type3A = tpu.bitcast %get3A_1 : vector<16x20096xf32> -> vector<16x20096xi32>
    %shift_right_arithmetic3A = arith.constant 31 : i32
    %shift_right_arithmetic3A_2 = vector.broadcast %shift_right_arithmetic3A : i32 to vector<16x20096xi32>
    %shift_right_arithmetic3A_3 = arith.shrsi %bitcast_convert_type3A, %shift_right_arithmetic3A_2 : vector<16x20096xi32>
    %and3A = arith.constant 2147483647 : i32
    %and3A_4 = vector.broadcast %and3A : i32 to vector<16x20096xi32>
    %and3A_5 = arith.andi %shift_right_arithmetic3A_3, %and3A_4 : vector<16x20096xi32>
    %xor3A = arith.xori %bitcast_convert_type3A, %and3A_5 : vector<16x20096xi32>
    %swap3A = arith.constant 0 : index
    %swap3A_6 = arith.constant 0 : index
    %swap3A_7 = vector.load %arg2[%swap3A, %swap3A_6] : memref<16x20096xi32, #tpu.memory_space<vmem>>, vector<16x20096xi32>
    tpu.vector_store %arg2[%swap3A, %swap3A_6], %xor3A {strides = array<i32>} : memref<16x20096xi32, #tpu.memory_space<vmem>>, vector<16x20096xi32>,
    %broadcast_in_dim3A = arith.constant -2147483648 : i32
    %broadcast_in_dim3A_8 = vector.broadcast %broadcast_in_dim3A : i32 to vector<16x1xi32>
    %broadcast_in_dim3A_9 = arith.constant 2147483647 : i32
    %broadcast_in_dim3A_10 = vector.broadcast %broadcast_in_dim3A_9 : i32 to vector<16x1xi32>
    %scan3A = arith.constant 0 : i32
    %scan3A_11 = arith.constant 20 : i32
    %scan3A_12 = arith.addi %scan3A, %scan3A_11 : i32
    %scan3A_13 = arith.constant 1 : i32
    %scan3A_14:2 = scf.for %scan3A_23 = %scan3A to %scan3A_12 step %scan3A_13 iter_args(%scan3A_24 = %broadcast_in_dim3A_8, %scan3A_25 = %broadcast_in_dim3A_10) -> (vector<16x1xi32>, vector<16x1xi32>)  : i32 {
      %shift_right_arithmetic3A_26 = arith.constant 1 : i32
      %shift_right_arithmetic3A_27 = vector.broadcast %shift_right_arithmetic3A_26 : i32 to vector<16x1xi32>
      %shift_right_arithmetic3A_28 = arith.shrsi %scan3A_24, %shift_right_arithmetic3A_27 : vector<16x1xi32>
      %shift_right_arithmetic3A_29 = arith.constant 1 : i32
      %shift_right_arithmetic3A_30 = vector.broadcast %shift_right_arithmetic3A_29 : i32 to vector<16x1xi32>
      %shift_right_arithmetic3A_31 = arith.shrsi %scan3A_25, %shift_right_arithmetic3A_30 : vector<16x1xi32>
      %add3A = arith.addi %shift_right_arithmetic3A_28, %shift_right_arithmetic3A_31 : vector<16x1xi32>
      %and3A_32 = arith.andi %scan3A_24, %scan3A_25 : vector<16x1xi32>
      %and3A_33 = arith.constant 1 : i32
      %and3A_34 = vector.broadcast %and3A_33 : i32 to vector<16x1xi32>
      %and3A_35 = arith.andi %and3A_32, %and3A_34 : vector<16x1xi32>
      %add3A_36 = arith.addi %add3A, %and3A_35 : vector<16x1xi32>
      %get3A_37 = arith.constant 0 : index
      %get3A_38 = arith.constant 0 : index
      %get3A_39 = vector.load %arg2[%get3A_37, %get3A_38] : memref<16x20096xi32, #tpu.memory_space<vmem>>, vector<16x20096xi32>
      %ge3A = vector.broadcast %add3A_36 : vector<16x1xi32> to vector<16x20096xi32>
      %ge3A_40 = arith.cmpi sge, %get3A_39, %ge3A : vector<16x20096xi32>
      %convert_element_type3A = arith.extui %ge3A_40 : vector<16x20096xi1> to vector<16x20096xi32>
      %reduce_sum3A = arith.constant dense<0> : vector<16xi32>
      %reduce_sum3A_41 = vector.multi_reduction <add>, %convert_element_type3A, %reduce_sum3A [1] : vector<16x20096xi32> to vector<16xi32>
      %broadcast_in_dim3A_42 = vector.shape_cast %reduce_sum3A_41 : vector<16xi32> to vector<16x1xi32>
      %le3A = arith.constant 600 : i32
      %le3A_43 = vector.broadcast %le3A : i32 to vector<16x1xi32>
      %le3A_44 = arith.cmpi sle, %broadcast_in_dim3A_42, %le3A_43 : vector<16x1xi32>
      %select_n3A = arith.select %le3A_44, %scan3A_24, %add3A_36 : vector<16x1xi1>, vector<16x1xi32>
      %select_n3A_45 = arith.select %le3A_44, %add3A_36, %scan3A_25 : vector<16x1xi1>, vector<16x1xi32>
      scf.yield %select_n3A, %select_n3A_45 : vector<16x1xi32>, vector<16x1xi32>
    }
    %max3A = arith.constant 0 : i32
    %max3A_15 = vector.broadcast %max3A : i32 to vector<16x1xi32>
    %max3A_16 = arith.maxsi %scan3A_14#1, %max3A_15 : vector<16x1xi32>
    %bitcast_convert_type3A_17 = tpu.bitcast %max3A_16 : vector<16x1xi32> -> vector<16x1xf32>
    %broadcast_in_dim3A_18 = vector.shape_cast %bitcast_convert_type3A_17 : vector<16x1xf32> to vector<16x1xf32>
    %broadcast_in_dim3A_19 = vector.broadcast %broadcast_in_dim3A_18 : vector<16x1xf32> to vector<16x16xf32>
    %swap3A_20 = arith.constant 0 : index
    %swap3A_21 = arith.constant 0 : index
    %swap3A_22 = vector.load %arg1[%swap3A_20, %swap3A_21] : memref<16x16xf32, #tpu.memory_space<vmem>>, vector<16x16xf32>
    tpu.vector_store %arg1[%swap3A_20, %swap3A_21], %broadcast_in_dim3A_19 {strides = array<i32>} : memref<16x16xf32, #tpu.memory_space<vmem>>, vector<16x16xf32>,
    return
  }
}

module attributes {stable_mosaic.version = 14 : i64} {
  func.func @_nms_fast_kernel(%arg0: memref<16x640xf32, #tpu.memory_space<vmem>>, %arg1: memref<16x640xf32, #tpu.memory_space<vmem>>, %arg2: memref<16x640xf32, #tpu.memory_space<vmem>>, %arg3: memref<16x640xf32, #tpu.memory_space<vmem>>, %arg4: memref<16x640xf32, #tpu.memory_space<vmem>>, %arg5: memref<256x16x4xf32, #tpu.memory_space<vmem>>, %arg6: memref<256x16x4xf32, #tpu.memory_space<vmem>>, %arg7: memref<16x128xi32, #tpu.memory_space<vmem>>, %arg8: memref<16x640xf32, #tpu.memory_space<vmem>>, %arg9: memref<16x640xf32, #tpu.memory_space<vmem>>, %arg10: memref<16x640xf32, #tpu.memory_space<vmem>>, %arg11: memref<16x640xf32, #tpu.memory_space<vmem>>, %arg12: memref<16x640xf32, #tpu.memory_space<vmem>>, %arg13: memref<16x640xf32, #tpu.memory_space<vmem>>) attributes {dimension_semantics = [], scalar_prefetch = 0 : i64, scratch_operands = 6 : i64, tpu.core_type = #tpu.core_type<tc>} {
    %get3A = arith.constant 0 : index
    %get3A_0 = arith.constant 0 : index
    %get3A_1 = vector.load %arg0[%get3A, %get3A_0] : memref<16x640xf32, #tpu.memory_space<vmem>>, vector<16x640xf32>
    %get3A_2 = arith.constant 0 : index
    %get3A_3 = arith.constant 0 : index
    %get3A_4 = vector.load %arg1[%get3A_2, %get3A_3] : memref<16x640xf32, #tpu.memory_space<vmem>>, vector<16x640xf32>
    %get3A_5 = arith.constant 0 : index
    %get3A_6 = arith.constant 0 : index
    %get3A_7 = vector.load %arg2[%get3A_5, %get3A_6] : memref<16x640xf32, #tpu.memory_space<vmem>>, vector<16x640xf32>
    %get3A_8 = arith.constant 0 : index
    %get3A_9 = arith.constant 0 : index
    %get3A_10 = vector.load %arg3[%get3A_8, %get3A_9] : memref<16x640xf32, #tpu.memory_space<vmem>>, vector<16x640xf32>
    %get3A_11 = arith.constant 0 : index
    %get3A_12 = arith.constant 0 : index
    %get3A_13 = vector.load %arg4[%get3A_11, %get3A_12] : memref<16x640xf32, #tpu.memory_space<vmem>>, vector<16x640xf32>
    %gt3A = arith.constant -1.000000e+30 : f32
    %gt3A_14 = vector.broadcast %gt3A : f32 to vector<16x640xf32>
    %gt3A_15 = arith.cmpf ogt, %get3A_1, %gt3A_14 : vector<16x640xf32>
    %jit3A = arith.constant 0xFF800000 : f32
    %broadcast_in_dim3A = vector.broadcast %jit3A : f32 to vector<16x640xf32>
    %select_n3A = arith.select %gt3A_15, %get3A_1, %broadcast_in_dim3A : vector<16x640xi1>, vector<16x640xf32>
    %swap3A = arith.constant 0 : index
    %swap3A_16 = arith.constant 0 : index
    %swap3A_17 = vector.load %arg8[%swap3A, %swap3A_16] : memref<16x640xf32, #tpu.memory_space<vmem>>, vector<16x640xf32>
    tpu.vector_store %arg8[%swap3A, %swap3A_16], %select_n3A {strides = array<i32>} : memref<16x640xf32, #tpu.memory_space<vmem>>, vector<16x640xf32>,
    %div3A = arith.constant 2.000000e+00 : f32
    %div3A_18 = vector.broadcast %div3A : f32 to vector<16x640xf32>
    %div3A_19 = arith.divf %get3A_10, %div3A_18 : vector<16x640xf32>
    %floor3A = math.floor %div3A_19 : vector<16x640xf32>
    %div3A_20 = arith.constant 2.000000e+00 : f32
    %div3A_21 = vector.broadcast %div3A_20 : f32 to vector<16x640xf32>
    %div3A_22 = arith.divf %get3A_13, %div3A_21 : vector<16x640xf32>
    %floor3A_23 = math.floor %div3A_22 : vector<16x640xf32>
    %sub3A = arith.subf %get3A_4, %floor3A : vector<16x640xf32>
    %sub3A_24 = arith.subf %get3A_7, %floor3A_23 : vector<16x640xf32>
    %add3A = arith.addf %get3A_4, %floor3A : vector<16x640xf32>
    %add3A_25 = arith.addf %get3A_7, %floor3A_23 : vector<16x640xf32>
    %swap3A_26 = arith.constant 0 : index
    %swap3A_27 = arith.constant 0 : index
    %swap3A_28 = vector.load %arg9[%swap3A_26, %swap3A_27] : memref<16x640xf32, #tpu.memory_space<vmem>>, vector<16x640xf32>
    tpu.vector_store %arg9[%swap3A_26, %swap3A_27], %sub3A {strides = array<i32>} : memref<16x640xf32, #tpu.memory_space<vmem>>, vector<16x640xf32>,
    %swap3A_29 = arith.constant 0 : index
    %swap3A_30 = arith.constant 0 : index
    %swap3A_31 = vector.load %arg10[%swap3A_29, %swap3A_30] : memref<16x640xf32, #tpu.memory_space<vmem>>, vector<16x640xf32>
    tpu.vector_store %arg10[%swap3A_29, %swap3A_30], %sub3A_24 {strides = array<i32>} : memref<16x640xf32, #tpu.memory_space<vmem>>, vector<16x640xf32>,
    %swap3A_32 = arith.constant 0 : index
    %swap3A_33 = arith.constant 0 : index
    %swap3A_34 = vector.load %arg11[%swap3A_32, %swap3A_33] : memref<16x640xf32, #tpu.memory_space<vmem>>, vector<16x640xf32>
    tpu.vector_store %arg11[%swap3A_32, %swap3A_33], %add3A {strides = array<i32>} : memref<16x640xf32, #tpu.memory_space<vmem>>, vector<16x640xf32>,
    %swap3A_35 = arith.constant 0 : index
    %swap3A_36 = arith.constant 0 : index
    %swap3A_37 = vector.load %arg12[%swap3A_35, %swap3A_36] : memref<16x640xf32, #tpu.memory_space<vmem>>, vector<16x640xf32>
    tpu.vector_store %arg12[%swap3A_35, %swap3A_36], %add3A_25 {strides = array<i32>} : memref<16x640xf32, #tpu.memory_space<vmem>>, vector<16x640xf32>,
    %sub3A_38 = arith.subf %add3A, %sub3A : vector<16x640xf32>
    %sub3A_39 = arith.subf %add3A_25, %sub3A_24 : vector<16x640xf32>
    %mul3A = arith.mulf %sub3A_38, %sub3A_39 : vector<16x640xf32>
    %swap3A_40 = arith.constant 0 : index
    %swap3A_41 = arith.constant 0 : index
    %swap3A_42 = vector.load %arg13[%swap3A_40, %swap3A_41] : memref<16x640xf32, #tpu.memory_space<vmem>>, vector<16x640xf32>
    tpu.vector_store %arg13[%swap3A_40, %swap3A_41], %mul3A {strides = array<i32>} : memref<16x640xf32, #tpu.memory_space<vmem>>, vector<16x640xf32>,
    %iota3A = tpu.iota {dimensions = array<i32: 1>} : vector<16x640xi32>
    %broadcast_in_dim3A_43 = arith.constant 0 : i32
    %broadcast_in_dim3A_44 = vector.broadcast %broadcast_in_dim3A_43 : i32 to vector<16x1xi32>
    %scan3A = arith.constant 0xFF800000 : f32
    %scan3A_45 = arith.constant 0.000000e+00 : f32
    %scan3A_46 = arith.constant 0 : i32
    %scan3A_47 = arith.constant 256 : i32
    %scan3A_48 = arith.addi %scan3A_46, %scan3A_47 : i32
    %scan3A_49 = arith.constant 1 : i32
    %scan3A_50 = scf.for %scan3A_57 = %scan3A_46 to %scan3A_48 step %scan3A_49 iter_args(%scan3A_58 = %broadcast_in_dim3A_44) -> (vector<16x1xi32>)  : i32 {
      %get3A_59 = arith.constant 0 : index
      %get3A_60 = arith.constant 0 : index
      %get3A_61 = vector.load %arg8[%get3A_59, %get3A_60] : memref<16x640xf32, #tpu.memory_space<vmem>>, vector<16x640xf32>
      %reduce_max3A = arith.constant dense<0xFF800000> : vector<16xf32>
      %reduce_max3A_62 = vector.multi_reduction <maximumf>, %get3A_61, %reduce_max3A [1] : vector<16x640xf32> to vector<16xf32>
      %broadcast_in_dim3A_63 = vector.shape_cast %reduce_max3A_62 : vector<16xf32> to vector<16x1xf32>
      %gt3A_64 = vector.broadcast %scan3A : f32 to vector<16x1xf32>
      %gt3A_65 = arith.cmpf ogt, %broadcast_in_dim3A_63, %gt3A_64 : vector<16x1xf32>
      %eq3A = vector.broadcast %broadcast_in_dim3A_63 : vector<16x1xf32> to vector<16x640xf32>
      %eq3A_66 = arith.cmpf oeq, %get3A_61, %eq3A : vector<16x640xf32>
      %jit3A_67 = arith.constant 1073741824 : i32
      %broadcast_in_dim3A_68 = vector.broadcast %jit3A_67 : i32 to vector<16x640xi32>
      %select_n3A_69 = arith.select %eq3A_66, %iota3A, %broadcast_in_dim3A_68 : vector<16x640xi1>, vector<16x640xi32>
      %reduce_min3A = arith.constant dense<2147483647> : vector<16xi32>
      %reduce_min3A_70 = vector.multi_reduction <minsi>, %select_n3A_69, %reduce_min3A [1] : vector<16x640xi32> to vector<16xi32>
      %broadcast_in_dim3A_71 = vector.shape_cast %reduce_min3A_70 : vector<16xi32> to vector<16x1xi32>
      %eq3A_72 = vector.broadcast %broadcast_in_dim3A_71 : vector<16x1xi32> to vector<16x640xi32>
      %eq3A_73 = arith.cmpi eq, %iota3A, %eq3A_72 : vector<16x640xi32>
      %get3A_74 = arith.constant 0 : index
      %get3A_75 = arith.constant 0 : index
      %get3A_76 = vector.load %arg1[%get3A_74, %get3A_75] : memref<16x640xf32, #tpu.memory_space<vmem>>, vector<16x640xf32>
      %broadcast_in_dim3A_77 = vector.broadcast %scan3A_45 : f32 to vector<16x640xf32>
      %select_n3A_78 = arith.select %eq3A_73, %get3A_76, %broadcast_in_dim3A_77 : vector<16x640xi1>, vector<16x640xf32>
      %reduce_sum3A = arith.constant dense<0.000000e+00> : vector<16xf32>
      %reduce_sum3A_79 = vector.multi_reduction <add>, %select_n3A_78, %reduce_sum3A [1] : vector<16x640xf32> to vector<16xf32>
      %broadcast_in_dim3A_80 = vector.shape_cast %reduce_sum3A_79 : vector<16xf32> to vector<16x1xf32>
      %get3A_81 = arith.constant 0 : index
      %get3A_82 = arith.constant 0 : index
      %get3A_83 = vector.load %arg2[%get3A_81, %get3A_82] : memref<16x640xf32, #tpu.memory_space<vmem>>, vector<16x640xf32>
      %broadcast_in_dim3A_84 = vector.broadcast %scan3A_45 : f32 to vector<16x640xf32>
      %select_n3A_85 = arith.select %eq3A_73, %get3A_83, %broadcast_in_dim3A_84 : vector<16x640xi1>, vector<16x640xf32>
      %reduce_sum3A_86 = arith.constant dense<0.000000e+00> : vector<16xf32>
      %reduce_sum3A_87 = vector.multi_reduction <add>, %select_n3A_85, %reduce_sum3A_86 [1] : vector<16x640xf32> to vector<16xf32>
      %broadcast_in_dim3A_88 = vector.shape_cast %reduce_sum3A_87 : vector<16xf32> to vector<16x1xf32>
      %get3A_89 = arith.constant 0 : index
      %get3A_90 = arith.constant 0 : index
      %get3A_91 = vector.load %arg3[%get3A_89, %get3A_90] : memref<16x640xf32, #tpu.memory_space<vmem>>, vector<16x640xf32>
      %broadcast_in_dim3A_92 = vector.broadcast %scan3A_45 : f32 to vector<16x640xf32>
      %select_n3A_93 = arith.select %eq3A_73, %get3A_91, %broadcast_in_dim3A_92 : vector<16x640xi1>, vector<16x640xf32>
      %reduce_sum3A_94 = arith.constant dense<0.000000e+00> : vector<16xf32>
      %reduce_sum3A_95 = vector.multi_reduction <add>, %select_n3A_93, %reduce_sum3A_94 [1] : vector<16x640xf32> to vector<16xf32>
      %broadcast_in_dim3A_96 = vector.shape_cast %reduce_sum3A_95 : vector<16xf32> to vector<16x1xf32>
      %get3A_97 = arith.constant 0 : index
      %get3A_98 = arith.constant 0 : index
      %get3A_99 = vector.load %arg4[%get3A_97, %get3A_98] : memref<16x640xf32, #tpu.memory_space<vmem>>, vector<16x640xf32>
      %broadcast_in_dim3A_100 = vector.broadcast %scan3A_45 : f32 to vector<16x640xf32>
      %select_n3A_101 = arith.select %eq3A_73, %get3A_99, %broadcast_in_dim3A_100 : vector<16x640xi1>, vector<16x640xf32>
      %reduce_sum3A_102 = arith.constant dense<0.000000e+00> : vector<16xf32>
      %reduce_sum3A_103 = vector.multi_reduction <add>, %select_n3A_101, %reduce_sum3A_102 [1] : vector<16x640xf32> to vector<16xf32>
      %broadcast_in_dim3A_104 = vector.shape_cast %reduce_sum3A_103 : vector<16xf32> to vector<16x1xf32>
      %div3A_105 = arith.constant 2.000000e+00 : f32
      %div3A_106 = vector.broadcast %div3A_105 : f32 to vector<16x1xf32>
      %div3A_107 = arith.divf %broadcast_in_dim3A_96, %div3A_106 : vector<16x1xf32>
      %floor3A_108 = math.floor %div3A_107 : vector<16x1xf32>
      %div3A_109 = arith.constant 2.000000e+00 : f32
      %div3A_110 = vector.broadcast %div3A_109 : f32 to vector<16x1xf32>
      %div3A_111 = arith.divf %broadcast_in_dim3A_104, %div3A_110 : vector<16x1xf32>
      %floor3A_112 = math.floor %div3A_111 : vector<16x1xf32>
      %sub3A_113 = arith.subf %broadcast_in_dim3A_80, %floor3A_108 : vector<16x1xf32>
      %sub3A_114 = arith.subf %broadcast_in_dim3A_88, %floor3A_112 : vector<16x1xf32>
      %add3A_115 = arith.addf %broadcast_in_dim3A_80, %floor3A_108 : vector<16x1xf32>
      %add3A_116 = arith.addf %broadcast_in_dim3A_88, %floor3A_112 : vector<16x1xf32>
      %sub3A_117 = arith.subf %add3A_115, %sub3A_113 : vector<16x1xf32>
      %sub3A_118 = arith.subf %add3A_116, %sub3A_114 : vector<16x1xf32>
      %mul3A_119 = arith.mulf %sub3A_117, %sub3A_118 : vector<16x1xf32>
      %get3A_120 = arith.constant 0 : index
      %get3A_121 = arith.constant 0 : index
      %get3A_122 = vector.load %arg9[%get3A_120, %get3A_121] : memref<16x640xf32, #tpu.memory_space<vmem>>, vector<16x640xf32>
      %max3A = vector.broadcast %sub3A_113 : vector<16x1xf32> to vector<16x640xf32>
      %max3A_123 = arith.maximumf %max3A, %get3A_122 : vector<16x640xf32>
      %get3A_124 = arith.constant 0 : index
      %get3A_125 = arith.constant 0 : index
      %get3A_126 = vector.load %arg10[%get3A_124, %get3A_125] : memref<16x640xf32, #tpu.memory_space<vmem>>, vector<16x640xf32>
      %max3A_127 = vector.broadcast %sub3A_114 : vector<16x1xf32> to vector<16x640xf32>
      %max3A_128 = arith.maximumf %max3A_127, %get3A_126 : vector<16x640xf32>
      %get3A_129 = arith.constant 0 : index
      %get3A_130 = arith.constant 0 : index
      %get3A_131 = vector.load %arg11[%get3A_129, %get3A_130] : memref<16x640xf32, #tpu.memory_space<vmem>>, vector<16x640xf32>
      %min3A = vector.broadcast %add3A_115 : vector<16x1xf32> to vector<16x640xf32>
      %min3A_132 = arith.minimumf %min3A, %get3A_131 : vector<16x640xf32>
      %get3A_133 = arith.constant 0 : index
      %get3A_134 = arith.constant 0 : index
      %get3A_135 = vector.load %arg12[%get3A_133, %get3A_134] : memref<16x640xf32, #tpu.memory_space<vmem>>, vector<16x640xf32>
      %min3A_136 = vector.broadcast %add3A_116 : vector<16x1xf32> to vector<16x640xf32>
      %min3A_137 = arith.minimumf %min3A_136, %get3A_135 : vector<16x640xf32>
      %sub3A_138 = arith.subf %min3A_132, %max3A_123 : vector<16x640xf32>
      %max3A_139 = vector.broadcast %scan3A_45 : f32 to vector<16x640xf32>
      %max3A_140 = arith.maximumf %sub3A_138, %max3A_139 : vector<16x640xf32>
      %sub3A_141 = arith.subf %min3A_137, %max3A_128 : vector<16x640xf32>
      %max3A_142 = vector.broadcast %scan3A_45 : f32 to vector<16x640xf32>
      %max3A_143 = arith.maximumf %sub3A_141, %max3A_142 : vector<16x640xf32>
      %mul3A_144 = arith.mulf %max3A_140, %max3A_143 : vector<16x640xf32>
      %get3A_145 = arith.constant 0 : index
      %get3A_146 = arith.constant 0 : index
      %get3A_147 = vector.load %arg13[%get3A_145, %get3A_146] : memref<16x640xf32, #tpu.memory_space<vmem>>, vector<16x640xf32>
      %add3A_148 = vector.broadcast %mul3A_119 : vector<16x1xf32> to vector<16x640xf32>
      %add3A_149 = arith.addf %add3A_148, %get3A_147 : vector<16x640xf32>
      %sub3A_150 = arith.subf %add3A_149, %mul3A_144 : vector<16x640xf32>
      %gt3A_151 = vector.broadcast %scan3A_45 : f32 to vector<16x640xf32>
      %gt3A_152 = arith.cmpf ogt, %sub3A_150, %gt3A_151 : vector<16x640xf32>
      %max3A_153 = arith.constant 9.99999996E-13 : f32
      %max3A_154 = vector.broadcast %max3A_153 : f32 to vector<16x640xf32>
      %max3A_155 = arith.maximumf %sub3A_150, %max3A_154 : vector<16x640xf32>
      %div3A_156 = arith.divf %mul3A_144, %max3A_155 : vector<16x640xf32>
      %broadcast_in_dim3A_157 = vector.broadcast %scan3A_45 : f32 to vector<16x640xf32>
      %select_n3A_158 = arith.select %gt3A_152, %div3A_156, %broadcast_in_dim3A_157 : vector<16x640xi1>, vector<16x640xf32>
      %gt3A_159 = arith.constant 5.000000e-01 : f32
      %gt3A_160 = vector.broadcast %gt3A_159 : f32 to vector<16x640xf32>
      %gt3A_161 = arith.cmpf ogt, %select_n3A_158, %gt3A_160 : vector<16x640xf32>
      %or3A = arith.ori %gt3A_161, %eq3A_73 : vector<16x640xi1>
      %broadcast_in_dim3A_162 = vector.broadcast %scan3A : f32 to vector<16x640xf32>
      %select_n3A_163 = arith.select %or3A, %broadcast_in_dim3A_162, %get3A_61 : vector<16x640xi1>, vector<16x640xf32>
      %swap3A_164 = arith.constant 0 : index
      %swap3A_165 = arith.constant 0 : index
      %swap3A_166 = vector.load %arg8[%swap3A_164, %swap3A_165] : memref<16x640xf32, #tpu.memory_space<vmem>>, vector<16x640xf32>
      tpu.vector_store %arg8[%swap3A_164, %swap3A_165], %select_n3A_163 {strides = array<i32>} : memref<16x640xf32, #tpu.memory_space<vmem>>, vector<16x640xf32>,
      %concatenate3A = tpu.concatenate %broadcast_in_dim3A_80, %broadcast_in_dim3A_88, %broadcast_in_dim3A_96, %broadcast_in_dim3A_104 in 1 : vector<16x1xf32>, vector<16x1xf32>, vector<16x1xf32>, vector<16x1xf32> -> vector<16x4xf32>
      %get3A_167 = arith.index_cast %scan3A_57 : i32 to index
      %get3A_168 = arith.constant 0 : index
      %get3A_169 = arith.constant 0 : index
      %get3A_170 = vector.load %arg5[%get3A_167, %get3A_168, %get3A_169] : memref<256x16x4xf32, #tpu.memory_space<vmem>>, vector<1x16x4xf32>
      %reshape3A = vector.shape_cast %get3A_170 : vector<1x16x4xf32> to vector<16x4xf32>
      %broadcast_in_dim3A_171 = vector.shape_cast %gt3A_65 : vector<16x1xi1> to vector<16x1xi1>
      %broadcast_in_dim3A_172 = vector.broadcast %broadcast_in_dim3A_171 : vector<16x1xi1> to vector<16x4xi1>
      %select_n3A_173 = arith.select %broadcast_in_dim3A_172, %concatenate3A, %reshape3A : vector<16x4xi1>, vector<16x4xf32>
      %reshape3A_174 = vector.shape_cast %select_n3A_173 : vector<16x4xf32> to vector<1x16x4xf32>
      %swap3A_175 = arith.index_cast %scan3A_57 : i32 to index
      %swap3A_176 = arith.constant 0 : index
      %swap3A_177 = arith.constant 0 : index
      %swap3A_178 = vector.load %arg6[%swap3A_175, %swap3A_176, %swap3A_177] : memref<256x16x4xf32, #tpu.memory_space<vmem>>, vector<1x16x4xf32>
      tpu.vector_store %arg6[%swap3A_175, %swap3A_176, %swap3A_177], %reshape3A_174 {strides = array<i32>} : memref<256x16x4xf32, #tpu.memory_space<vmem>>, vector<1x16x4xf32>,
      %convert_element_type3A = arith.extui %gt3A_65 : vector<16x1xi1> to vector<16x1xi32>
      %add3A_179 = arith.addi %scan3A_58, %convert_element_type3A : vector<16x1xi32>
      scf.yield %add3A_179 : vector<16x1xi32>
    }
    %scan3A_51 = arith.constant 256 : i32
    %broadcast_in_dim3A_52 = vector.shape_cast %scan3A_50 : vector<16x1xi32> to vector<16x1xi32>
    %broadcast_in_dim3A_53 = vector.broadcast %broadcast_in_dim3A_52 : vector<16x1xi32> to vector<16x128xi32>
    %swap3A_54 = arith.constant 0 : index
    %swap3A_55 = arith.constant 0 : index
    %swap3A_56 = vector.load %arg7[%swap3A_54, %swap3A_55] : memref<16x128xi32, #tpu.memory_space<vmem>>, vector<16x128xi32>
    tpu.vector_store %arg7[%swap3A_54, %swap3A_55], %broadcast_in_dim3A_53 {strides = array<i32>} : memref<16x128xi32, #tpu.memory_space<vmem>>, vector<16x128xi32>,
    return
  }
}

module attributes {stable_mosaic.version = 14 : i64} {
  func.func @_nms_slow_kernel(%arg0: memref<16x20096xf32, #tpu.memory_space<vmem>>, %arg1: memref<16x20096xf32, #tpu.memory_space<vmem>>, %arg2: memref<16x20096xf32, #tpu.memory_space<vmem>>, %arg3: memref<16x20096xf32, #tpu.memory_space<vmem>>, %arg4: memref<16x20096xf32, #tpu.memory_space<vmem>>, %arg5: memref<256x16x1xi32, #tpu.memory_space<vmem>>, %arg6: memref<256x16x4xf32, #tpu.memory_space<vmem>>, %arg7: memref<16x20096xf32, #tpu.memory_space<vmem>>, %arg8: memref<16x20096xf32, #tpu.memory_space<vmem>>, %arg9: memref<16x20096xf32, #tpu.memory_space<vmem>>, %arg10: memref<16x20096xf32, #tpu.memory_space<vmem>>, %arg11: memref<16x20096xf32, #tpu.memory_space<vmem>>, %arg12: memref<16x20096xf32, #tpu.memory_space<vmem>>) attributes {dimension_semantics = [], scalar_prefetch = 0 : i64, scratch_operands = 6 : i64, tpu.core_type = #tpu.core_type<tc>} {
    %get3A = arith.constant 0 : index
    %get3A_0 = arith.constant 0 : index
    %get3A_1 = vector.load %arg0[%get3A, %get3A_0] : memref<16x20096xf32, #tpu.memory_space<vmem>>, vector<16x20096xf32>
    %get3A_2 = arith.constant 0 : index
    %get3A_3 = arith.constant 0 : index
    %get3A_4 = vector.load %arg1[%get3A_2, %get3A_3] : memref<16x20096xf32, #tpu.memory_space<vmem>>, vector<16x20096xf32>
    %get3A_5 = arith.constant 0 : index
    %get3A_6 = arith.constant 0 : index
    %get3A_7 = vector.load %arg2[%get3A_5, %get3A_6] : memref<16x20096xf32, #tpu.memory_space<vmem>>, vector<16x20096xf32>
    %get3A_8 = arith.constant 0 : index
    %get3A_9 = arith.constant 0 : index
    %get3A_10 = vector.load %arg3[%get3A_8, %get3A_9] : memref<16x20096xf32, #tpu.memory_space<vmem>>, vector<16x20096xf32>
    %get3A_11 = arith.constant 0 : index
    %get3A_12 = arith.constant 0 : index
    %get3A_13 = vector.load %arg4[%get3A_11, %get3A_12] : memref<16x20096xf32, #tpu.memory_space<vmem>>, vector<16x20096xf32>
    %gt3A = arith.constant -1.000000e+30 : f32
    %gt3A_14 = vector.broadcast %gt3A : f32 to vector<16x20096xf32>
    %gt3A_15 = arith.cmpf ogt, %get3A_1, %gt3A_14 : vector<16x20096xf32>
    %jit3A = arith.constant 0xFF800000 : f32
    %broadcast_in_dim3A = vector.broadcast %jit3A : f32 to vector<16x20096xf32>
    %select_n3A = arith.select %gt3A_15, %get3A_1, %broadcast_in_dim3A : vector<16x20096xi1>, vector<16x20096xf32>
    %swap3A = arith.constant 0 : index
    %swap3A_16 = arith.constant 0 : index
    %swap3A_17 = vector.load %arg7[%swap3A, %swap3A_16] : memref<16x20096xf32, #tpu.memory_space<vmem>>, vector<16x20096xf32>
    tpu.vector_store %arg7[%swap3A, %swap3A_16], %select_n3A {strides = array<i32>} : memref<16x20096xf32, #tpu.memory_space<vmem>>, vector<16x20096xf32>,
    %div3A = arith.constant 2.000000e+00 : f32
    %div3A_18 = vector.broadcast %div3A : f32 to vector<16x20096xf32>
    %div3A_19 = arith.divf %get3A_10, %div3A_18 : vector<16x20096xf32>
    %floor3A = math.floor %div3A_19 : vector<16x20096xf32>
    %div3A_20 = arith.constant 2.000000e+00 : f32
    %div3A_21 = vector.broadcast %div3A_20 : f32 to vector<16x20096xf32>
    %div3A_22 = arith.divf %get3A_13, %div3A_21 : vector<16x20096xf32>
    %floor3A_23 = math.floor %div3A_22 : vector<16x20096xf32>
    %sub3A = arith.subf %get3A_4, %floor3A : vector<16x20096xf32>
    %sub3A_24 = arith.subf %get3A_7, %floor3A_23 : vector<16x20096xf32>
    %add3A = arith.addf %get3A_4, %floor3A : vector<16x20096xf32>
    %add3A_25 = arith.addf %get3A_7, %floor3A_23 : vector<16x20096xf32>
    %swap3A_26 = arith.constant 0 : index
    %swap3A_27 = arith.constant 0 : index
    %swap3A_28 = vector.load %arg8[%swap3A_26, %swap3A_27] : memref<16x20096xf32, #tpu.memory_space<vmem>>, vector<16x20096xf32>
    tpu.vector_store %arg8[%swap3A_26, %swap3A_27], %sub3A {strides = array<i32>} : memref<16x20096xf32, #tpu.memory_space<vmem>>, vector<16x20096xf32>,
    %swap3A_29 = arith.constant 0 : index
    %swap3A_30 = arith.constant 0 : index
    %swap3A_31 = vector.load %arg9[%swap3A_29, %swap3A_30] : memref<16x20096xf32, #tpu.memory_space<vmem>>, vector<16x20096xf32>
    tpu.vector_store %arg9[%swap3A_29, %swap3A_30], %sub3A_24 {strides = array<i32>} : memref<16x20096xf32, #tpu.memory_space<vmem>>, vector<16x20096xf32>,
    %swap3A_32 = arith.constant 0 : index
    %swap3A_33 = arith.constant 0 : index
    %swap3A_34 = vector.load %arg10[%swap3A_32, %swap3A_33] : memref<16x20096xf32, #tpu.memory_space<vmem>>, vector<16x20096xf32>
    tpu.vector_store %arg10[%swap3A_32, %swap3A_33], %add3A {strides = array<i32>} : memref<16x20096xf32, #tpu.memory_space<vmem>>, vector<16x20096xf32>,
    %swap3A_35 = arith.constant 0 : index
    %swap3A_36 = arith.constant 0 : index
    %swap3A_37 = vector.load %arg11[%swap3A_35, %swap3A_36] : memref<16x20096xf32, #tpu.memory_space<vmem>>, vector<16x20096xf32>
    tpu.vector_store %arg11[%swap3A_35, %swap3A_36], %add3A_25 {strides = array<i32>} : memref<16x20096xf32, #tpu.memory_space<vmem>>, vector<16x20096xf32>,
    %sub3A_38 = arith.subf %add3A, %sub3A : vector<16x20096xf32>
    %sub3A_39 = arith.subf %add3A_25, %sub3A_24 : vector<16x20096xf32>
    %mul3A = arith.mulf %sub3A_38, %sub3A_39 : vector<16x20096xf32>
    %swap3A_40 = arith.constant 0 : index
    %swap3A_41 = arith.constant 0 : index
    %swap3A_42 = vector.load %arg12[%swap3A_40, %swap3A_41] : memref<16x20096xf32, #tpu.memory_space<vmem>>, vector<16x20096xf32>
    tpu.vector_store %arg12[%swap3A_40, %swap3A_41], %mul3A {strides = array<i32>} : memref<16x20096xf32, #tpu.memory_space<vmem>>, vector<16x20096xf32>,
    %iota3A = tpu.iota {dimensions = array<i32: 1>} : vector<16x20096xi32>
    %scan3A = arith.constant 0xFF800000 : f32
    %scan3A_43 = arith.constant 0.000000e+00 : f32
    %scan3A_44 = arith.constant 0 : i32
    %scan3A_45 = arith.constant 256 : i32
    %scan3A_46 = arith.addi %scan3A_44, %scan3A_45 : i32
    %scan3A_47 = arith.constant 1 : i32
    scf.for %scan3A_49 = %scan3A_44 to %scan3A_46 step %scan3A_47  : i32 {
      %get3A_50 = arith.constant 0 : index
      %get3A_51 = arith.constant 0 : index
      %get3A_52 = vector.load %arg7[%get3A_50, %get3A_51] : memref<16x20096xf32, #tpu.memory_space<vmem>>, vector<16x20096xf32>
      %reduce_max3A = arith.constant dense<0xFF800000> : vector<16xf32>
      %reduce_max3A_53 = vector.multi_reduction <maximumf>, %get3A_52, %reduce_max3A [1] : vector<16x20096xf32> to vector<16xf32>
      %broadcast_in_dim3A_54 = vector.shape_cast %reduce_max3A_53 : vector<16xf32> to vector<16x1xf32>
      %gt3A_55 = vector.broadcast %scan3A : f32 to vector<16x1xf32>
      %gt3A_56 = arith.cmpf ogt, %broadcast_in_dim3A_54, %gt3A_55 : vector<16x1xf32>
      %eq3A = vector.broadcast %broadcast_in_dim3A_54 : vector<16x1xf32> to vector<16x20096xf32>
      %eq3A_57 = arith.cmpf oeq, %get3A_52, %eq3A : vector<16x20096xf32>
      %jit3A_58 = arith.constant 1073741824 : i32
      %broadcast_in_dim3A_59 = vector.broadcast %jit3A_58 : i32 to vector<16x20096xi32>
      %select_n3A_60 = arith.select %eq3A_57, %iota3A, %broadcast_in_dim3A_59 : vector<16x20096xi1>, vector<16x20096xi32>
      %reduce_min3A = arith.constant dense<2147483647> : vector<16xi32>
      %reduce_min3A_61 = vector.multi_reduction <minsi>, %select_n3A_60, %reduce_min3A [1] : vector<16x20096xi32> to vector<16xi32>
      %broadcast_in_dim3A_62 = vector.shape_cast %reduce_min3A_61 : vector<16xi32> to vector<16x1xi32>
      %get3A_63 = arith.index_cast %scan3A_49 : i32 to index
      %get3A_64 = arith.constant 0 : index
      %get3A_65 = arith.constant 0 : index
      %get3A_66 = vector.load %arg5[%get3A_63, %get3A_64, %get3A_65] : memref<256x16x1xi32, #tpu.memory_space<vmem>>, vector<1x16x1xi32>
      %reshape3A = vector.shape_cast %get3A_66 : vector<1x16x1xi32> to vector<16x1xi32>
      %select_n3A_67 = arith.select %gt3A_56, %broadcast_in_dim3A_62, %reshape3A : vector<16x1xi1>, vector<16x1xi32>
      %eq3A_68 = vector.broadcast %select_n3A_67 : vector<16x1xi32> to vector<16x20096xi32>
      %eq3A_69 = arith.cmpi eq, %iota3A, %eq3A_68 : vector<16x20096xi32>
      %get3A_70 = arith.constant 0 : index
      %get3A_71 = arith.constant 0 : index
      %get3A_72 = vector.load %arg1[%get3A_70, %get3A_71] : memref<16x20096xf32, #tpu.memory_space<vmem>>, vector<16x20096xf32>
      %broadcast_in_dim3A_73 = vector.broadcast %scan3A_43 : f32 to vector<16x20096xf32>
      %select_n3A_74 = arith.select %eq3A_69, %get3A_72, %broadcast_in_dim3A_73 : vector<16x20096xi1>, vector<16x20096xf32>
      %reduce_sum3A = arith.constant dense<0.000000e+00> : vector<16xf32>
      %reduce_sum3A_75 = vector.multi_reduction <add>, %select_n3A_74, %reduce_sum3A [1] : vector<16x20096xf32> to vector<16xf32>
      %broadcast_in_dim3A_76 = vector.shape_cast %reduce_sum3A_75 : vector<16xf32> to vector<16x1xf32>
      %get3A_77 = arith.constant 0 : index
      %get3A_78 = arith.constant 0 : index
      %get3A_79 = vector.load %arg2[%get3A_77, %get3A_78] : memref<16x20096xf32, #tpu.memory_space<vmem>>, vector<16x20096xf32>
      %broadcast_in_dim3A_80 = vector.broadcast %scan3A_43 : f32 to vector<16x20096xf32>
      %select_n3A_81 = arith.select %eq3A_69, %get3A_79, %broadcast_in_dim3A_80 : vector<16x20096xi1>, vector<16x20096xf32>
      %reduce_sum3A_82 = arith.constant dense<0.000000e+00> : vector<16xf32>
      %reduce_sum3A_83 = vector.multi_reduction <add>, %select_n3A_81, %reduce_sum3A_82 [1] : vector<16x20096xf32> to vector<16xf32>
      %broadcast_in_dim3A_84 = vector.shape_cast %reduce_sum3A_83 : vector<16xf32> to vector<16x1xf32>
      %get3A_85 = arith.constant 0 : index
      %get3A_86 = arith.constant 0 : index
      %get3A_87 = vector.load %arg3[%get3A_85, %get3A_86] : memref<16x20096xf32, #tpu.memory_space<vmem>>, vector<16x20096xf32>
      %broadcast_in_dim3A_88 = vector.broadcast %scan3A_43 : f32 to vector<16x20096xf32>
      %select_n3A_89 = arith.select %eq3A_69, %get3A_87, %broadcast_in_dim3A_88 : vector<16x20096xi1>, vector<16x20096xf32>
      %reduce_sum3A_90 = arith.constant dense<0.000000e+00> : vector<16xf32>
      %reduce_sum3A_91 = vector.multi_reduction <add>, %select_n3A_89, %reduce_sum3A_90 [1] : vector<16x20096xf32> to vector<16xf32>
      %broadcast_in_dim3A_92 = vector.shape_cast %reduce_sum3A_91 : vector<16xf32> to vector<16x1xf32>
      %get3A_93 = arith.constant 0 : index
      %get3A_94 = arith.constant 0 : index
      %get3A_95 = vector.load %arg4[%get3A_93, %get3A_94] : memref<16x20096xf32, #tpu.memory_space<vmem>>, vector<16x20096xf32>
      %broadcast_in_dim3A_96 = vector.broadcast %scan3A_43 : f32 to vector<16x20096xf32>
      %select_n3A_97 = arith.select %eq3A_69, %get3A_95, %broadcast_in_dim3A_96 : vector<16x20096xi1>, vector<16x20096xf32>
      %reduce_sum3A_98 = arith.constant dense<0.000000e+00> : vector<16xf32>
      %reduce_sum3A_99 = vector.multi_reduction <add>, %select_n3A_97, %reduce_sum3A_98 [1] : vector<16x20096xf32> to vector<16xf32>
      %broadcast_in_dim3A_100 = vector.shape_cast %reduce_sum3A_99 : vector<16xf32> to vector<16x1xf32>
      %div3A_101 = arith.constant 2.000000e+00 : f32
      %div3A_102 = vector.broadcast %div3A_101 : f32 to vector<16x1xf32>
      %div3A_103 = arith.divf %broadcast_in_dim3A_92, %div3A_102 : vector<16x1xf32>
      %floor3A_104 = math.floor %div3A_103 : vector<16x1xf32>
      %div3A_105 = arith.constant 2.000000e+00 : f32
      %div3A_106 = vector.broadcast %div3A_105 : f32 to vector<16x1xf32>
      %div3A_107 = arith.divf %broadcast_in_dim3A_100, %div3A_106 : vector<16x1xf32>
      %floor3A_108 = math.floor %div3A_107 : vector<16x1xf32>
      %sub3A_109 = arith.subf %broadcast_in_dim3A_76, %floor3A_104 : vector<16x1xf32>
      %sub3A_110 = arith.subf %broadcast_in_dim3A_84, %floor3A_108 : vector<16x1xf32>
      %add3A_111 = arith.addf %broadcast_in_dim3A_76, %floor3A_104 : vector<16x1xf32>
      %add3A_112 = arith.addf %broadcast_in_dim3A_84, %floor3A_108 : vector<16x1xf32>
      %sub3A_113 = arith.subf %add3A_111, %sub3A_109 : vector<16x1xf32>
      %sub3A_114 = arith.subf %add3A_112, %sub3A_110 : vector<16x1xf32>
      %mul3A_115 = arith.mulf %sub3A_113, %sub3A_114 : vector<16x1xf32>
      %get3A_116 = arith.constant 0 : index
      %get3A_117 = arith.constant 0 : index
      %get3A_118 = vector.load %arg8[%get3A_116, %get3A_117] : memref<16x20096xf32, #tpu.memory_space<vmem>>, vector<16x20096xf32>
      %max3A = vector.broadcast %sub3A_109 : vector<16x1xf32> to vector<16x20096xf32>
      %max3A_119 = arith.maximumf %max3A, %get3A_118 : vector<16x20096xf32>
      %get3A_120 = arith.constant 0 : index
      %get3A_121 = arith.constant 0 : index
      %get3A_122 = vector.load %arg9[%get3A_120, %get3A_121] : memref<16x20096xf32, #tpu.memory_space<vmem>>, vector<16x20096xf32>
      %max3A_123 = vector.broadcast %sub3A_110 : vector<16x1xf32> to vector<16x20096xf32>
      %max3A_124 = arith.maximumf %max3A_123, %get3A_122 : vector<16x20096xf32>
      %get3A_125 = arith.constant 0 : index
      %get3A_126 = arith.constant 0 : index
      %get3A_127 = vector.load %arg10[%get3A_125, %get3A_126] : memref<16x20096xf32, #tpu.memory_space<vmem>>, vector<16x20096xf32>
      %min3A = vector.broadcast %add3A_111 : vector<16x1xf32> to vector<16x20096xf32>
      %min3A_128 = arith.minimumf %min3A, %get3A_127 : vector<16x20096xf32>
      %get3A_129 = arith.constant 0 : index
      %get3A_130 = arith.constant 0 : index
      %get3A_131 = vector.load %arg11[%get3A_129, %get3A_130] : memref<16x20096xf32, #tpu.memory_space<vmem>>, vector<16x20096xf32>
      %min3A_132 = vector.broadcast %add3A_112 : vector<16x1xf32> to vector<16x20096xf32>
      %min3A_133 = arith.minimumf %min3A_132, %get3A_131 : vector<16x20096xf32>
      %sub3A_134 = arith.subf %min3A_128, %max3A_119 : vector<16x20096xf32>
      %max3A_135 = vector.broadcast %scan3A_43 : f32 to vector<16x20096xf32>
      %max3A_136 = arith.maximumf %sub3A_134, %max3A_135 : vector<16x20096xf32>
      %sub3A_137 = arith.subf %min3A_133, %max3A_124 : vector<16x20096xf32>
      %max3A_138 = vector.broadcast %scan3A_43 : f32 to vector<16x20096xf32>
      %max3A_139 = arith.maximumf %sub3A_137, %max3A_138 : vector<16x20096xf32>
      %mul3A_140 = arith.mulf %max3A_136, %max3A_139 : vector<16x20096xf32>
      %get3A_141 = arith.constant 0 : index
      %get3A_142 = arith.constant 0 : index
      %get3A_143 = vector.load %arg12[%get3A_141, %get3A_142] : memref<16x20096xf32, #tpu.memory_space<vmem>>, vector<16x20096xf32>
      %add3A_144 = vector.broadcast %mul3A_115 : vector<16x1xf32> to vector<16x20096xf32>
      %add3A_145 = arith.addf %add3A_144, %get3A_143 : vector<16x20096xf32>
      %sub3A_146 = arith.subf %add3A_145, %mul3A_140 : vector<16x20096xf32>
      %gt3A_147 = vector.broadcast %scan3A_43 : f32 to vector<16x20096xf32>
      %gt3A_148 = arith.cmpf ogt, %sub3A_146, %gt3A_147 : vector<16x20096xf32>
      %max3A_149 = arith.constant 9.99999996E-13 : f32
      %max3A_150 = vector.broadcast %max3A_149 : f32 to vector<16x20096xf32>
      %max3A_151 = arith.maximumf %sub3A_146, %max3A_150 : vector<16x20096xf32>
      %div3A_152 = arith.divf %mul3A_140, %max3A_151 : vector<16x20096xf32>
      %broadcast_in_dim3A_153 = vector.broadcast %scan3A_43 : f32 to vector<16x20096xf32>
      %select_n3A_154 = arith.select %gt3A_148, %div3A_152, %broadcast_in_dim3A_153 : vector<16x20096xi1>, vector<16x20096xf32>
      %gt3A_155 = arith.constant 5.000000e-01 : f32
      %gt3A_156 = vector.broadcast %gt3A_155 : f32 to vector<16x20096xf32>
      %gt3A_157 = arith.cmpf ogt, %select_n3A_154, %gt3A_156 : vector<16x20096xf32>
      %or3A = arith.ori %gt3A_157, %eq3A_69 : vector<16x20096xi1>
      %and3A = vector.broadcast %gt3A_56 : vector<16x1xi1> to vector<16x20096xi1>
      %and3A_158 = arith.andi %and3A, %or3A : vector<16x20096xi1>
      %broadcast_in_dim3A_159 = vector.broadcast %scan3A : f32 to vector<16x20096xf32>
      %select_n3A_160 = arith.select %and3A_158, %broadcast_in_dim3A_159, %get3A_52 : vector<16x20096xi1>, vector<16x20096xf32>
      %swap3A_161 = arith.constant 0 : index
      %swap3A_162 = arith.constant 0 : index
      %swap3A_163 = vector.load %arg7[%swap3A_161, %swap3A_162] : memref<16x20096xf32, #tpu.memory_space<vmem>>, vector<16x20096xf32>
      tpu.vector_store %arg7[%swap3A_161, %swap3A_162], %select_n3A_160 {strides = array<i32>} : memref<16x20096xf32, #tpu.memory_space<vmem>>, vector<16x20096xf32>,
      %concatenate3A = tpu.concatenate %broadcast_in_dim3A_76, %broadcast_in_dim3A_84, %broadcast_in_dim3A_92, %broadcast_in_dim3A_100 in 1 : vector<16x1xf32>, vector<16x1xf32>, vector<16x1xf32>, vector<16x1xf32> -> vector<16x4xf32>
      %reshape3A_164 = vector.shape_cast %concatenate3A : vector<16x4xf32> to vector<1x16x4xf32>
      %swap3A_165 = arith.index_cast %scan3A_49 : i32 to index
      %swap3A_166 = arith.constant 0 : index
      %swap3A_167 = arith.constant 0 : index
      %swap3A_168 = vector.load %arg6[%swap3A_165, %swap3A_166, %swap3A_167] : memref<256x16x4xf32, #tpu.memory_space<vmem>>, vector<1x16x4xf32>
      tpu.vector_store %arg6[%swap3A_165, %swap3A_166, %swap3A_167], %reshape3A_164 {strides = array<i32>} : memref<256x16x4xf32, #tpu.memory_space<vmem>>, vector<1x16x4xf32>,
    }
    %scan3A_48 = arith.constant 256 : i32
    return
  }
}

</mosaic_0001>

<sc_bundles>
// kernel: kernel.7.cloned.1.call-start
scs
__scs_entry_jumppad:
0x0: {  	(pc) =	sbr.rel $0x88, $3  }
0x1: {  	(tag) =	ssettag $0x0;
	lr =	simm.s32 $0x1  }
0x2: {  	[smem:$0x3FA0] =	sst lr;
	_ =	strace $0xD0000000  }
0x3: {  	_ = 	snop  }
0x4: {  	_ = 	snop  }
0x5: {  	_ = 	snop  }
0x6: {  	_ = 	snop  }
0x7: {  	_ = 	snop  }
__scs_overlays_trampoline_lowered:
0x8: {  	[smem:$0x3FAF] =	sst s0  }
0x9: {  	[smem:$0x3FB0] =	sst s1  }
0xa: {  	[smem:$0x3FB1] =	sst s2  }
0xb: {  	[smem:$0x3FB2] =	sst s3  }
0xc: {  	[smem:$0x3FB3] =	sst s4  }
0xd: {  	[smem:$0x3FB4] =	sst s5  }
0xe: {  	[smem:$0x3FB5] =	sst s6  }
0xf: {  	[smem:$0x3FB6] =	sst s7  }
0x10: {  	[smem:$0x3FB7] =	sst s8  }
0x11: {  	[smem:$0x3FB8] =	sst s9;
	s0 =	simm.s32 @!p0 $0x0  }
0x12: {  	s1 =	sld [smem:$0x3F9E];
	s0 =	simm.s32 @p0 $0x1  }
0x13: {  	[smem:$0x3FB9] =	sst s0;
	s0 =	simm.s32 @!p1 $0x0  }
0x14: {  	s2 =	sld [smem:$0x3F9D];
	s0 =	simm.s32 @p1 $0x1  }
0x15: {  	[smem:$0x3FBA] =	sst s0;
	s0 =	simm.s32 @!p2 $0x0  }
0x16: {  	s3 =	sld [smem:$0x3FDB];
	s0 =	simm.s32 @p2 $0x1  }
0x17: {  	s4 =	simm.s32 $0x1BF5;
	[smem:$0x3FBC] =	sst s0  }
0x18: {  	s0 =	sld [smem:$0x3F9F];
	_ =	swait.ge [sflag:s4], $0x0  }
0x19: {  	s7 =	sld [smem:$0x3FA0]  }
0x1a: {  	s8 =	sadd.s32 $0xFFFFE003, lr  }
0x1b: {  	s9 =	sadd.s32 $0xFFFFFEF7, lr;
	s5 =	simm.s32 $0xFFFFFFFF;
	p2 =	slt.u32 s8, $0xFFFFF086  }
0x1c: {  	p1 =	slt.u32 s9, $0xF7A;
	s5 =	simm.s32 @!p2 $0x0  }
0x1d: {  	s5 =	simm.s32 @p1 $0x1;
	p0 =	seq.s32 s7, s2  }
0x1e: {  	s7 =	smul.u32 @!p0 $0xF7A, s2;
	p2 =	seq.s32 @!p0 s5, $0x0  }
0x1f: {  	s9 =	smul.u32 $0xF7A, s1;
	s8 =	simm.s32 @!p0 $0x1BF5;
	p2 =	por !p2, p0  }
0x20: {  	[sflag:s8] =	ssyncset.s32 @!p0 $0xFFFFF086;
	s6 =	sadd.s32 @!p0 s3, s7;
	s7 =	simm.s32 @!p0 $0x108  }
0x21: {  	s3 =	sadd.s32 s3, s9;
	s6 =	sadd.s32 @!p0 $0x88, s6;
	s7 =	simm.s32 @p2 $0x1082  }
0x22: {  	[simem:s7], [sflag:s8] =	dma.local @!p0 [hbm:s6], $0xF7A  }
0x23: {  	s9 =	sor.u32 $0xD0000000, s2;
	s6 =	simm.s32 $0x108;
	_ =	swait.ge @!p0 [sflag:s8], $0x0  }
0x24: {  	s3 =	sadd.s32 $0x88, s3;
	s6 =	simm.s32 @!p1 $0x1082;
	[sflag:s4] =	ssyncset.s32 $0xFFFFF086  }
0x25: {  	[simem:s6], [sflag:s4] =	dma.local [hbm:s3], $0xF7A  }
0x26: {  	[smem:$0x3FA0] =	sst s1;
	(tag) =	ssettag s2;
	_ =	strace s9  }
0x27: {  	s1 =	sld [smem:$0x3FB0]  }
0x28: {  	s2 =	sld [smem:$0x3FB1]  }
0x29: {  	s4 =	sld [smem:$0x3FB3]  }
0x2a: {  	p0 =	seq.s32 s5, $0x0;
	s5 =	sld [smem:$0x3FB4]  }
0x2b: {  	s6 =	sld [smem:$0x3FB5]  }
0x2c: {  	s7 =	sld [smem:$0x3FB6]  }
0x2d: {  	s3 =	simm.s32 $0x108;
	s8 =	sld [smem:$0x3FB7]  }
0x2e: {  	s3 =	simm.s32 @!p0 $0x1082;
	s9 =	sld [smem:$0x3FB8]  }
0x2f: {  	lr =	sadd.s32 s0, s3;
	s0 =	sld [smem:$0x3FAF]  }
0x30: {  	s3 =	sld [smem:$0x3FB2]  }
0x31: {  	[smem:$0x3FBB] =	sst s10  }
0x32: {  	s10 =	sld [smem:$0x3FB9];
	_ =	sdelay $0x3  }
0x33: {  	p0 =	seq.s32 s10, $0x1;
	s10 =	sld [smem:$0x3FBB];
	_ =	sdelay $0x3  }
0x34: {  	[smem:$0x3FBB] =	sst s10  }
0x35: {  	s10 =	sld [smem:$0x3FBA];
	_ =	sdelay $0x3  }
0x36: {  	p1 =	seq.s32 s10, $0x1;
	s10 =	sld [smem:$0x3FBB];
	_ =	sdelay $0x3  }
0x37: {  	[smem:$0x3FBB] =	sst s10  }
0x38: {  	s10 =	sld [smem:$0x3FBC]  }
0x39: {  	_ = 	snop;
	(pc) =	sbr.ind lr, $3  }
0x3a: {  	_ = 	snop  }
0x3b: {  	_ = 	snop  }
0x3c: {  	p2 =	seq.s32 s10, $0x1;
	s10 =	sld [smem:$0x3FBB]  }
0x3d: {  	_ =	shalt  }
0x3e: {  	_ =	shalt  }
0x3f: {  	_ =	shalt  }
0x40: {  	_ =	shalt  }
0x41: {  	_ =	shalt  }
0x42: {  	_ =	shalt  }
0x43: {  	_ =	shalt  }
0x44: {  	_ =	shalt  }
0x45: {  	_ =	shalt  }
0x46: {  	_ =	shalt  }
0x47: {  	_ =	shalt  }
0x48: {  	_ =	shalt  }
0x49: {  	_ =	shalt  }
0x4a: {  	_ =	shalt  }
0x4b: {  	_ =	shalt  }
0x4c: {  	_ =	shalt  }
0x4d: {  	_ =	shalt  }
0x4e: {  	_ =	shalt  }
0x4f: {  	_ =	shalt  }
0x50: {  	_ =	shalt  }
0x51: {  	_ =	shalt  }
0x52: {  	_ =	shalt  }
0x53: {  	_ =	shalt  }
0x54: {  	_ =	shalt  }
0x55: {  	_ =	shalt  }
0x56: {  	_ =	shalt  }
0x57: {  	_ =	shalt  }
0x58: {  	_ =	shalt  }
0x59: {  	_ =	shalt  }
0x5a: {  	_ =	shalt  }
0x5b: {  	_ =	shalt  }
0x5c: {  	_ =	shalt  }
0x5d: {  	_ =	shalt  }
0x5e: {  	_ =	shalt  }
0x5f: {  	_ =	shalt  }
0x60: {  	_ =	shalt  }
0x61: {  	_ =	shalt  }
0x62: {  	_ =	shalt  }
0x63: {  	_ =	shalt  }
0x64: {  	_ =	shalt  }
0x65: {  	_ =	shalt  }
0x66: {  	_ =	shalt  }
0x67: {  	_ =	shalt  }
0x68: {  	_ =	shalt  }
0x69: {  	_ =	shalt  }
0x6a: {  	_ =	shalt  }
0x6b: {  	_ =	shalt  }
0x6c: {  	_ =	shalt  }
0x6d: {  	_ =	shalt  }
0x6e: {  	_ =	shalt  }
0x6f: {  	_ =	shalt  }
0x70: {  	_ =	shalt  }
0x71: {  	_ =	shalt  }
0x72: {  	_ =	shalt  }
0x73: {  	_ =	shalt  }
0x74: {  	_ =	shalt  }
0x75: {  	_ =	shalt  }
0x76: {  	_ =	shalt  }
0x77: {  	_ =	shalt  }
0x78: {  	_ =	shalt  }
0x79: {  	_ =	shalt  }
0x7a: {  	_ =	shalt  }
0x7b: {  	_ =	shalt  }
0x7c: {  	_ =	shalt  }
0x7d: {  	_ =	shalt  }
0x7e: {  	_ =	shalt  }
0x7f: {  	_ =	shalt  }
0x80: {  	_ =	shalt  }
0x81: {  	_ =	shalt  }
0x82: {  	_ =	shalt  }
0x83: {  	_ =	shalt  }
0x84: {  	_ =	shalt  }
0x85: {  	_ =	shalt  }
0x86: {  	_ =	shalt  }
0x87: {  	_ =	shalt  }
.Lfunc_end0:
.L_simem_size_0:
called_computation_lowered:
.L_overlay_start_0:
0x88: {  	s2 =	sld [smem:$0x3FD9]  }
0x89: {  	s3 =	sld [smem:$0x3FFE];
	_ =	sdelay $0x1  }
0x8a: {  	s1 =	srdreg.scid  }
0x8b: {  	s0 =	sand.u32 $0x1, s1  }
0x8c: {  	s17 =	sshll.u32 s0, $0xA;
	s2 =	sadd.s32 s3, s2  }
0x8d: {  	s2 =	sadd.s32 s2, s17  }
0x8e: {  	[smem:$0x3FC7] =	sst s2  }
0x8f: {  	_ = 	snop  }
0x90: {  	s2 =	sld [smem:$0x3FD0];
	(tm) =	ssettm $0x1  }
0x91: {  	s18 =	sld [smem:$0x3FFB];
	_ =	sdelay $0x3  }
0x92: {  	_ =	strace s18  }
0x93: {  	s3 =	sld [smem:$0x3FFC];
	_ =	sdelay $0x3  }
0x94: {  	_ =	strace s3  }
0x95: {  	s3 =	sld [smem:$0x3FFD];
	_ =	sdelay $0x3  }
0x96: {  	_ =	strace s3  }
0x97: {  	_ =	strace $0x8FFFFFFF  }
0x98: {  	s19 =	sld [smem:$0x3FDB];
	_ =	sdelay $0x1  }
0x99: {  	s4 =	simm.s32 $_scs_section_size  }
0x9a: {  	s5 =	simm.s32 $_size__tile_overlayer_lowered;
	s6 =	simm.s32 $_tile_overlayer_lowered  }
0x9b: {  	s22 =	simm.s32 $0x1BFF;
	s21 =	sshll.u32 s6, $0x1;
	s3 =	sadd.s32 s4, s19  }
0x9c: {  	s7 =	simm.s32 $0x0;
	s20 =	sshll.u32 s5, $0x1;
	s5 =	sadd.s32 s21, s3  }
0x9d: {  	[timem:s7], [sflag:s22] =	dma.local [hbm:s5], s20  }
0x9e: {  	_ =	swait.ge [sflag:s22], s20  }
0x9f: {  	s4 =	ssub.s32 $0x0, s20;
	[sflag:s22] =	ssyncset.done $0x0  }
0xa0: {  	[sflag:s22] =	ssyncadd.s32 s4;
	_ =	sdelay $0x1  }
0xa1: {  	s23 =	simm.s32 $0x1B8B  }
0xa2: {  	_ =	swait.ge [sflag:s23], $0x1  }
0xa3: {  	[sflag:s23] =	ssyncset.done $0x0  }
0xa4: {  	s25 =	simm.s32 $0x1B8E;
	s24 =	sld [smem:$0x3FFE];
	[sflag:s23] =	ssyncadd.s32 $0xFFFFFFFF  }
0xa5: {  	s26 =	simm.s32 $execute0_lowered;
	[smem:$0x3FD2] =	sst s25  }
0xa6: {  	s5 =	sshll.u32 s26, $0x1;
	_ =	strace $0x80000046;
	[dreg:$0x1] =	wrdreg $0xFFFFFFFF  }
0xa7: {  	s28 =	simm.s32 $_size_execute0_lowered;
	s3 =	sadd.s32 s3, s5;
	[dreg:$0x0] =	wrdreg $0x0  }
0xa8: {  	s5 =	sshll.u32 s28, $0x1;
	[dreg:$0x2] =	wrdreg s3  }
0xa9: {  	[dreg:$0x3] =	wrdreg s5  }
0xaa: {  	[dreg:$0x4] =	wrdreg $0xC0  }
0xab: {  	_ =	task [dreg:s7], $0x5FFFF  }
0xac: {  	[dreg:$0x1] =	wrdreg $0xFFFFFFFF  }
0xad: {  	[dreg:$0x0] =	wrdreg $0x60  }
0xae: {  	[dreg:$0x2] =	wrdreg s24  }
0xaf: {  	[dreg:$0x3] =	wrdreg s2  }
0xb0: {  	[dreg:$0x4] =	wrdreg $0x9  }
0xb1: {  	_ =	task.clear_ibuf [dreg:s7], $0x5FFFF;
	_ =	strace $0x90000046  }
0xb2: {  	s29 =	simm.s32 $0x9;
	_ =	strace $0x80000048  }
0xb3: {  	_ =	swait.ge [sflag:s29], $0x1  }
0xb4: {  	[sflag:s29] =	ssyncadd.s32 $0xFFFFFFFF  }
0xb5: {  	_ =	strace $0x90000048  }
0xb6: {  	_ =	sfence  }
0xb7: {  	s30 =	sld [smem:$0x0];
	_ =	sdelay $0x2  }
0xb8: {  	s31 =	sshll.u32 s1, $0xD;
	s1 =	sshrl.u32 s1, $0x2  }
0xb9: {  	s3 =	sand.u32 $0x4000, s31;
	s1 =	sadd.s32 s1, s30  }
0xba: {  	s0 =	sor.u32 s3, s0;
	s1 =	sshll.u32 s1, $0x11  }
0xbb: {  	s0 =	sor.u32 s1, s0  }
0xbc: {  	s0 =	sadd.s32 $0x8F2B, s0  }
0xbd: {  	[sflag:s0] =	ssyncadd.remote.s32 $0x1  }
0xbe: {  	_ =	sfence.sel $0xFFFF  }
0xbf: {  	[dreg:$0x0] =	wrdreg $0xFFFFFFFF;
	(pc) =	sbr.abs _section_cstart, $3  }
0xc0: {  	[dreg:$0x1] =	wrdreg $0xFFFFFFFF  }
0xc1: {  	_ =	task.clear_ibuf [dreg:s7], $0x2FFFF;
	_ =	strace $0x9FFFFFFF  }
0xc2: {  	(tm) =	ssettm $0x7FFFFFFF  }
0xc3: {  	_ =	shalt  }
tec
execute0_lowered:
.L_overlay_start_1:
0x0: {  	(tag) =	ssettag $0x1  }
0x1: {  	s1 =	srdreg.scid  }
0x2: {  	s1 =	sand.u32 $0x1, s1  }
0x3: {  	p0 =	seq.s32 s1, $0x1  }
.Ltmp0:
0x4: {  	_ = 	snop;
	(pc) =	sbr.rel @p0 .LBB2_6-.Ltmp0, $4  }
0x5: {  	s3 =	rddreg [dreg:$0x0]  }
0x6: {  	s4 =	rddreg [dreg:$0x1];
	s2 =	simm.s32 $0x0  }
0x7: {  	[smem:$0x7FF] =	sst s2  }
0x8: {  	s0 =	rddreg [dreg:$0x2];
	_ =	strace $0x80000047;
	s1 =	stileid.u32  }
0x9: {  	s5 =	sshrl.u32 s1, $0x3  }
0xa: {  	s6 =	sshll.u32 s1, $0x7;
	s7 =	smul.u32 $0x27400, s5  }
0xb: {  	s6 =	sand.u32 $0x380, s6  }
0xc: {  	s7 =	sor.u32 s6, s7  }
0xd: {  	s8 =	sadd.s32 $0x2AA00, s3;
	s9 =	simm.s32 $0x80;
	s7 =	sshrl.u32 s7, $0x3  }
0xe: {  	s10 =	simm.s32 $0x400;
	s11 =	simm.s32 $0x1;
	s8 =	sadd.s32 s8, s7  }
0xf: {  	[tilespmem:s2], [sflag:$0x1] =	stream.strided.gather [hbm4b:s8+s9], $0x4E80, s10, s9, $0x38;
	[tilespmem:$0x19B00] =	vst v63  }
0x10: {  	_ =	swait.ge [sflag:s11], $0x4E80  }
0x11: {  	s14 =	sadd.s32 $0x20C00, s3;
	[sflag:s11] =	ssyncset.done $0x0  }
0x12: {  	s12 =	simm.s32 $0x4E80;
	s8 =	sadd.s32 s14, s7;
	[sflag:s11] =	ssyncadd.s32 $0xFFFFB180  }
0x13: {  	[tilespmem:s12], [sflag:$0x1] =	stream.strided.gather [hbm4b:s8+s9], $0x4E80, s10, s9, $0x38;
	[tilespmem:$0x19B00] =	vst v63  }
0x14: {  	_ =	swait.ge [sflag:s11], $0x4E80  }
0x15: {  	s15 =	sadd.s32 $0x16E00, s3;
	[sflag:s11] =	ssyncset.done $0x0  }
0x16: {  	s16 =	simm.s32 $0x9D00;
	s8 =	sadd.s32 s15, s7;
	[sflag:s11] =	ssyncadd.s32 $0xFFFFB180  }
0x17: {  	[tilespmem:s16], [sflag:$0x1] =	stream.strided.gather [hbm4b:s8+s9], $0x4E80, s10, s9, $0x38;
	[tilespmem:$0x19B00] =	vst v63  }
0x18: {  	_ =	swait.ge [sflag:s11], $0x4E80  }
0x19: {  	s17 =	sadd.s32 $0xD000, s3;
	[sflag:s11] =	ssyncset.done $0x0  }
0x1a: {  	s18 =	simm.s32 $0xEB80;
	s8 =	sadd.s32 s17, s7;
	[sflag:s11] =	ssyncadd.s32 $0xFFFFB180  }
0x1b: {  	[tilespmem:s18], [sflag:$0x1] =	stream.strided.gather [hbm4b:s8+s9], $0x4E80, s10, s9, $0x38;
	[tilespmem:$0x19B00] =	vst v63  }
0x1c: {  	_ =	swait.ge [sflag:s11], $0x4E80  }
0x1d: {  	s19 =	sadd.s32 $0x3200, s3;
	s21 =	simm.s32 $0x13A00;
	[sflag:s11] =	ssyncset.done $0x0  }
0x1e: {  	s20 =	sshll.u32 s5, $0xA;
	s7 =	sadd.s32 s19, s7;
	[sflag:s11] =	ssyncadd.s32 $0xFFFFB180  }
0x1f: {  	[tilespmem:s21], [sflag:$0x1] =	stream.strided.gather [hbm4b:s7+s9], $0x4E80, s10, s9, $0x38;
	[tilespmem:$0x19B00] =	vst v63  }
0x20: {  	s22 =	sadd.s32 $0x34800, s3;
	s23 =	sor.u32 s6, s20;
	_ =	swait.ge [sflag:s11], $0x4E80  }
0x21: {  	s13 =	simm.s32 $0x18880;
	s7 =	sshrl.u32 s23, $0x3;
	[sflag:s11] =	ssyncset.done $0x0  }
0x22: {  	s24 =	sshll.u32 s5, $0xB;
	s8 =	sadd.s32 s22, s7;
	[sflag:s11] =	ssyncadd.s32 $0xFFFFB180  }
0x23: {  	[tilespmem:s13], [sflag:$0x1] =	stream.linear.gather [hbm4b:s8+s2], $0x80, $0x38;
	[tilespmem:$0x19B00] =	vst v63  }
0x24: {  	s25 =	sor.u32 s6, s24;
	_ =	swait.ge [sflag:s11], $0x80  }
0x25: {  	s26 =	sadd.s32 $0x34A00, s3;
	s8 =	sshrl.u32 s25, $0x3;
	[sflag:s11] =	ssyncset.done $0x0  }
0x26: {  	s28 =	simm.s32 $0x19580;
	s12 =	sadd.s32 s26, s8;
	[sflag:s11] =	ssyncadd.s32 $0xFFFFFF80  }
0x27: {  	[tilespmem:s28], [sflag:$0x1] =	stream.strided.gather [hbm4b:s12+s9], $0x100, s10, s9, $0x38;
	[tilespmem:$0x19B00] =	vst v63  }
0x28: {  	_ =	swait.ge [sflag:s11], $0x100  }
0x29: {  	[sflag:s11] =	ssyncset.done $0x0  }
0x2a: {  	v0 =	vimm.f32 $-Inf;
	[sflag:s11] =	ssyncadd.s32 $0xFFFFFF00  }
0x2b: {  	[tilespmem:$0x18900] =	vst v0  }
0x2c: {  	[tilespmem:$0x18910] =	vst v0  }
0x2d: {  	[tilespmem:$0x18920] =	vst v0  }
0x2e: {  	[tilespmem:$0x18930] =	vst v0  }
0x2f: {  	[tilespmem:$0x18940] =	vst v0  }
0x30: {  	[tilespmem:$0x18950] =	vst v0  }
0x31: {  	[tilespmem:$0x18960] =	vst v0  }
0x32: {  	[tilespmem:$0x18970] =	vst v0  }
0x33: {  	[tilespmem:$0x18980] =	vst v0  }
0x34: {  	[tilespmem:$0x18990] =	vst v0  }
0x35: {  	[tilespmem:$0x189A0] =	vst v0  }
0x36: {  	[tilespmem:$0x189B0] =	vst v0  }
0x37: {  	[tilespmem:$0x189C0] =	vst v0  }
0x38: {  	[tilespmem:$0x189D0] =	vst v0  }
0x39: {  	[tilespmem:$0x189E0] =	vst v0  }
0x3a: {  	[tilespmem:$0x189F0] =	vst v0  }
0x3b: {  	[tilespmem:$0x18A00] =	vst v0  }
0x3c: {  	[tilespmem:$0x18A10] =	vst v0  }
0x3d: {  	[tilespmem:$0x18A20] =	vst v0  }
0x3e: {  	[tilespmem:$0x18A30] =	vst v0  }
0x3f: {  	[tilespmem:$0x18A40] =	vst v0  }
0x40: {  	[tilespmem:$0x18A50] =	vst v0  }
0x41: {  	[tilespmem:$0x18A60] =	vst v0  }
0x42: {  	[tilespmem:$0x18A70] =	vst v0  }
0x43: {  	[tilespmem:$0x18A80] =	vst v0  }
0x44: {  	[tilespmem:$0x18A90] =	vst v0  }
0x45: {  	[tilespmem:$0x18AA0] =	vst v0  }
0x46: {  	[tilespmem:$0x18AB0] =	vst v0  }
0x47: {  	[tilespmem:$0x18AC0] =	vst v0  }
0x48: {  	[tilespmem:$0x18AD0] =	vst v0  }
0x49: {  	[tilespmem:$0x18AE0] =	vst v0  }
0x4a: {  	[tilespmem:$0x18AF0] =	vst v0  }
0x4b: {  	[tilespmem:$0x18B00] =	vst v0  }
0x4c: {  	[tilespmem:$0x18B10] =	vst v0  }
0x4d: {  	[tilespmem:$0x18B20] =	vst v0  }
0x4e: {  	[tilespmem:$0x18B30] =	vst v0  }
0x4f: {  	[tilespmem:$0x18B40] =	vst v0  }
0x50: {  	[tilespmem:$0x18B50] =	vst v0  }
0x51: {  	[tilespmem:$0x18B60] =	vst v0  }
0x52: {  	s29 =	simm.s32 $0x0;
	[tilespmem:$0x18B70] =	vst v0;
	v0 =	vld [tilespmem:$0x18880]  }
0x53: {  	v2 =	vld [tilespmem:s29+$0x0];
	_ =	sdelay $0x4  }
0x54: {  	v1 =	vimm.s32 $0x0;
	p0 =	por $0x0, $0x0;
	vm0 =	vge.f32 v2, v0  }
0x55: {  	v3 =	vsel vm0, $0x1, v1;
	vm0 =	vge.f32 @!p0 v2, v0  }
0x56: {  	s14 =	simm.s32 @!p0 $0x0;
	(xrf0) =	vadd.scan.msk.s32 $0xffff, v3;
	[tilespmem:s2+$0x18900] =	vst.msk @!p0 vm0, v2  }
0x57: {  	v2 =	vld @!p0 [tilespmem:s14+$0x4E80];
	_ =	sdelay $0x4  }
0x58: {  	v3, _, _ =	vpop (xrf0);
	[tilespmem:s2+$0x18B80] =	vst.msk @!p0 vm0, v2  }
0x59: {  	(v2sf) =	vpush v3, $0xF;
	v2 =	vld @!p0 [tilespmem:s14+$0x9D00];
	_ =	sdelay $0x4  }
0x5a: {  	[tilespmem:s2+$0x18E00] =	vst.msk @!p0 vm0, v2  }
0x5b: {  	v2 =	vld @!p0 [tilespmem:s14+$0xEB80]  }
0x5c: {  	s5 =	smul.u32 $0x1400, s5;
	_ =	sdelay $0x1  }
0x5d: {  	s5 =	sor.u32 s6, s5  }
0x5e: {  	s5 =	sshrl.u32 s5, $0x3;
	s7 =	sadd.s32 s7, s3  }
0x5f: {  	s30 =	sadd.s32 s5, s3;
	s7 =	sadd.s32 $0x36C00, s7;
	[tilespmem:s2+$0x19080] =	vst.msk @!p0 vm0, v2  }
0x60: {  	s13 =	simm.s32 $0x40;
	s31 =	sadd.s32 s8, s3;
	s8 =	sadd.s32 $0x36600, s30;
	v2 =	vld @!p0 [tilespmem:s14+$0x13A00]  }
0x61: {  	s6 =	sadd.s32 $0x34C00, s31;
	s3 =	sadd.s32 $0x35200, s31;
	s12 =	sadd.s32 s4, s5  }
0x62: {  	s10 =	sadd.s32 $0x35A00, s30;
	s9 =	sadd.s32 $0x36000, s30;
	s5 =	sadd.s32 $0x34E00, s31  }
0x63: {  	s4 =	sadd.s32 $0x35000, s31;
	s11 =	sadd.s32 $0x35400, s30;
	s14 =	spop (v2sf)  }
.LBB2_2:
0x64: {  	s15 =	sshra.s32 s13, $0x2  }
0x65: {  	[tilespmem:s2+$0x19300] =	vst.msk @!p0 vm0, v2;
	s2 =	sadd.s32 s2, s14;
	s14 =	smov.u32 s13;
	s13 =	sadd.s32 $0x40, s13  }
0x66: {  	v2 =	vld [tilespmem:s15+$0x0];
	p0 =	sgt.s32 s2, $0x270;
	p1 =	sne.s32 s13, $0x13880  }
0x67: {  	s14 =	sshra.s32 @!p0 s14, $0x2;
	_ =	sdelay $0x3  }
0x68: {  	vm1 =	vge.f32 v2, v0;
	vm0 =	vge.f32 @!p0 v2, v0  }
0x69: {  	v3 =	vsel vm1, $0x1, v1;
	[tilespmem:s2+$0x18900] =	vst.msk @!p0 vm0, v2  }
0x6a: {  	v2 =	vld @!p0 [tilespmem:s14+$0x4E80];
	(xrf0) =	vadd.scan.msk.s32 $0xffff, v3;
	_ =	sdelay $0x4  }
0x6b: {  	[tilespmem:s2+$0x18B80] =	vst.msk @!p0 vm0, v2  }
0x6c: {  	v2 =	vld @!p0 [tilespmem:s14+$0x9D00];
	v3, _, _ =	vpop (xrf0)  }
0x6d: {  	(v2sf) =	vpush v3, $0xF;
	_ =	sdelay $0x3  }
0x6e: {  	[tilespmem:s2+$0x18E00] =	vst.msk @!p0 vm0, v2  }
0x6f: {  	v2 =	vld @!p0 [tilespmem:s14+$0xEB80];
	_ =	sdelay $0x4  }
0x70: {  	[tilespmem:s2+$0x19080] =	vst.msk @!p0 vm0, v2  }
.Ltmp1:
0x71: {  	v2 =	vld @!p0 [tilespmem:s14+$0x13A00];
	(pc) =	sbr.rel @p1 .LBB2_2-.Ltmp1, $2  }
0x72: {  	_ =	sdelay $0x2  }
0x73: {  	s14 =	spop (v2sf)  }
0x74: {  	s13 =	sadd.s32 s2, s14  }
0x75: {  	[tilespmem:s2+$0x19300] =	vst.msk @!p0 vm0, v2;
	v0 =	vmov s13  }
0x76: {  	s2 =	simm.s32 $0x0;
	[tilespmem:$0x19A80] =	vst v0  }
0x77: {  	v0 =	vld [tilespmem:s2+$0x19580];
	_ =	sdelay $0x6  }
0x78: {  	s13 =	simm.s32 $0x4E80  }
0x79: {  	v1 =	vld.idx.msk [tilespmem:v0+s13+$0x0], $0xffff;
	_ =	sdelay $0x4  }
0x7a: {  	s14 =	simm.s32 $0x9D00;
	[tilespmem:s2+$0x19680] =	vst v1  }
0x7b: {  	v1 =	vld.idx.msk [tilespmem:v0+s14+$0x0], $0xffff;
	_ =	sdelay $0x4  }
0x7c: {  	s15 =	simm.s32 $0xEB80;
	[tilespmem:s2+$0x19780] =	vst v1  }
0x7d: {  	v1 =	vld.idx.msk [tilespmem:v0+s15+$0x0], $0xffff;
	_ =	sdelay $0x3  }
0x7e: {  	s16 =	simm.s32 $0x13A00;
	s18 =	simm.s32 $0x10;
	s17 =	simm.s32 $0x80  }
.LBB2_4:
0x7f: {  	p0 =	sne.s32 s17, $0x3C0;
	v2 =	vld [tilespmem:s18+$0x19580];
	[tilespmem:s2+$0x19880] =	vst v1  }
0x80: {  	v1 =	vld.idx.msk [tilespmem:v0+s16+$0x0], $0xffff;
	_ =	sdelay $0x3  }
0x81: {  	v0 =	vmov v2;
	_ =	sdelay $0x1  }
0x82: {  	[tilespmem:s2+$0x19980] =	vst v1;
	s2 =	smov.u32 s18  }
0x83: {  	v1 =	vld.idx.msk [tilespmem:v2+s13+$0x0], $0xffff;
	_ =	sdelay $0x5  }
0x84: {  	[tilespmem:s2+$0x19680] =	vst v1  }
0x85: {  	v1 =	vld.idx.msk [tilespmem:v2+s14+$0x0], $0xffff;
	_ =	sdelay $0x5  }
0x86: {  	[tilespmem:s2+$0x19780] =	vst v1  }
0x87: {  	v1 =	vld.idx.msk [tilespmem:v2+s15+$0x0], $0xffff  }
.Ltmp2:
0x88: {  	(pc) =	sbr.rel @p0 .LBB2_4-.Ltmp2, $2  }
0x89: {  	_ =	sdelay $0x2  }
0x8a: {  	s18 =	sshra.s32 s17, $0x2;
	s17 =	sadd.s32 $0x40, s17  }
0x8b: {  	_ =	sdelay $0x1  }
0x8c: {  	v2 =	vld [tilespmem:s18+$0x19580]  }
0x8d: {  	[tilespmem:s2+$0x19880] =	vst v1  }
0x8e: {  	v0 =	vld.idx.msk [tilespmem:v0+s16+$0x0], $0xffff;
	_ =	sdelay $0x4  }
0x8f: {  	[tilespmem:s2+$0x19980] =	vst v0  }
0x90: {  	v0 =	vld.idx.msk [tilespmem:v2+s13+$0x0], $0xffff;
	_ =	sdelay $0x4  }
0x91: {  	[tilespmem:s18+$0x19680] =	vst v0  }
0x92: {  	v0 =	vld.idx.msk [tilespmem:v2+s14+$0x0], $0xffff;
	_ =	sdelay $0x4  }
0x93: {  	[tilespmem:s18+$0x19780] =	vst v0  }
0x94: {  	v0 =	vld.idx.msk [tilespmem:v2+s15+$0x0], $0xffff;
	_ =	sdelay $0x4  }
0x95: {  	[tilespmem:s18+$0x19880] =	vst v0  }
0x96: {  	v0 =	vld.idx.msk [tilespmem:v2+s16+$0x0], $0xffff;
	_ =	sdelay $0x3  }
0x97: {  	s17 =	simm.s32 $0x80  }
0x98: {  	s19 =	simm.s32 $0x18900;
	s20 =	simm.s32 $0x1;
	[tilespmem:s18+$0x19980] =	vst v0;
	s18 =	simm.s32 $0x400  }
0x99: {  	[hbm4b:s12+s17] =	stream.strided.scatter [tilespmem:s19], [sflag:$0x1], $0x280, s18, s17, $0x38;
	[tilespmem:$0x19B00] =	vst v63  }
0x9a: {  	_ =	swait.ge [sflag:s20], $0x280  }
0x9b: {  	[sflag:s20] =	ssyncset.done $0x0  }
0x9c: {  	s21 =	simm.s32 $0x18B80;
	[sflag:s20] =	ssyncadd.s32 $0xFFFFFD80  }
0x9d: {  	[hbm4b:s11+s17] =	stream.strided.scatter [tilespmem:s21], [sflag:$0x1], $0x280, s18, s17, $0x38;
	[tilespmem:$0x19B00] =	vst v63  }
0x9e: {  	_ =	swait.ge [sflag:s20], $0x280  }
0x9f: {  	[sflag:s20] =	ssyncset.done $0x0  }
0xa0: {  	s22 =	simm.s32 $0x18E00;
	[sflag:s20] =	ssyncadd.s32 $0xFFFFFD80  }
0xa1: {  	[hbm4b:s10+s17] =	stream.strided.scatter [tilespmem:s22], [sflag:$0x1], $0x280, s18, s17, $0x38;
	[tilespmem:$0x19B00] =	vst v63  }
0xa2: {  	_ =	swait.ge [sflag:s20], $0x280  }
0xa3: {  	[sflag:s20] =	ssyncset.done $0x0  }
0xa4: {  	s23 =	simm.s32 $0x19080;
	[sflag:s20] =	ssyncadd.s32 $0xFFFFFD80  }
0xa5: {  	[hbm4b:s9+s17] =	stream.strided.scatter [tilespmem:s23], [sflag:$0x1], $0x280, s18, s17, $0x38;
	[tilespmem:$0x19B00] =	vst v63  }
0xa6: {  	_ =	swait.ge [sflag:s20], $0x280  }
0xa7: {  	[sflag:s20] =	ssyncset.done $0x0  }
0xa8: {  	s24 =	simm.s32 $0x19300;
	[sflag:s20] =	ssyncadd.s32 $0xFFFFFD80  }
0xa9: {  	[hbm4b:s8+s17] =	stream.strided.scatter [tilespmem:s24], [sflag:$0x1], $0x280, s18, s17, $0x38;
	[tilespmem:$0x19B00] =	vst v63  }
0xaa: {  	_ =	swait.ge [sflag:s20], $0x280  }
0xab: {  	[sflag:s20] =	ssyncset.done $0x0  }
0xac: {  	s25 =	simm.s32 $0x0;
	s26 =	simm.s32 $0x19A80;
	[sflag:s20] =	ssyncadd.s32 $0xFFFFFD80  }
0xad: {  	[hbm4b:s7+s25] =	stream.linear.scatter [tilespmem:s26], [sflag:$0x1], $0x80, $0x38;
	[tilespmem:$0x19B00] =	vst v63  }
0xae: {  	_ =	swait.ge [sflag:s20], $0x80  }
0xaf: {  	[sflag:s20] =	ssyncset.done $0x0  }
0xb0: {  	s28 =	simm.s32 $0x19680;
	[sflag:s20] =	ssyncadd.s32 $0xFFFFFF80  }
0xb1: {  	[hbm4b:s6+s17] =	stream.strided.scatter [tilespmem:s28], [sflag:$0x1], $0x100, s18, s17, $0x38;
	[tilespmem:$0x19B00] =	vst v63  }
0xb2: {  	_ =	swait.ge [sflag:s20], $0x100  }
0xb3: {  	[sflag:s20] =	ssyncset.done $0x0  }
0xb4: {  	s29 =	simm.s32 $0x19780;
	[sflag:s20] =	ssyncadd.s32 $0xFFFFFF00  }
0xb5: {  	[hbm4b:s5+s17] =	stream.strided.scatter [tilespmem:s29], [sflag:$0x1], $0x100, s18, s17, $0x38;
	[tilespmem:$0x19B00] =	vst v63  }
0xb6: {  	_ =	swait.ge [sflag:s20], $0x100  }
0xb7: {  	[sflag:s20] =	ssyncset.done $0x0  }
0xb8: {  	s30 =	simm.s32 $0x19880;
	[sflag:s20] =	ssyncadd.s32 $0xFFFFFF00  }
0xb9: {  	[hbm4b:s4+s17] =	stream.strided.scatter [tilespmem:s30], [sflag:$0x1], $0x100, s18, s17, $0x38;
	[tilespmem:$0x19B00] =	vst v63  }
0xba: {  	_ =	swait.ge [sflag:s20], $0x100  }
0xbb: {  	[sflag:s20] =	ssyncset.done $0x0  }
0xbc: {  	s31 =	simm.s32 $0x19980;
	[sflag:s20] =	ssyncadd.s32 $0xFFFFFF00  }
0xbd: {  	[hbm4b:s3+s17] =	stream.strided.scatter [tilespmem:s31], [sflag:$0x1], $0x100, s18, s17, $0x38;
	[tilespmem:$0x19B00] =	vst v63  }
0xbe: {  	_ =	swait.ge [sflag:s20], $0x100  }
0xbf: {  	[sflag:s20] =	ssyncset.done $0x0  }
0xc0: {  	[sflag:s20] =	ssyncadd.s32 $0xFFFFFF00  }
.LBB2_6:
0xc1: {  	_ =	sfence.sel $0x180000  }
0xc2: {  	[bflag:$0x0] =	sbarrier.arrive $0xFFFF  }
0xc3: {  	p0 =	sne.s32 s1, $0x0;
	_ =	strace $0x90000047  }
0xc4: {  	s0 =	sadd.s32 @!p0 $0x100000, s0;
	[bflag:$0x2] =	sbarrier.arrive $0xFFFF  }
0xc5: {  	[sflag:s0] =	ssyncadd.tile.s32 @!p0 $0x1;
	_ =	shalt  }
.Lfunc_end2:
_tile_overlayer_lowered:
.L_overlay_start_2:
0xc6: {  	(tag) =	ssettag $0x2  }
0xc7: {  	s0 =	rddreg [dreg:$0x0];
	s2 =	stileid.u32  }
0xc8: {  	s1 =	rddreg [dreg:$0x1];
	p0 =	sne.s32 s2, $0x0  }
0xc9: {  	s3 =	rddreg [dreg:$0x2];
	[bflag:$0x3] =	sbarrier.arrive $0xFFFF;
	s2 =	simm.s32 @!p0 $0x1C01  }
0xca: {  	[timem:s3], [sflag:s2] =	dma.local @!p0 [hbm:s0], s1  }
0xcb: {  	s0 =	simm.s32 @!p0 $0x1  }
0xcc: {  	_ =	swait.ge @!p0 [sflag:s0], s1  }
0xcd: {  	s1 =	ssub.s32 @!p0 $0x0, s1;
	[sflag:s0] =	ssyncset.done @!p0 $0x0  }
0xce: {  	[sflag:s0] =	ssyncadd.s32 @!p0 s1  }
0xcf: {  	[bflag:$0x3] =	sbarrier.arrive $0xFFFF  }
0xd0: {  	_ =	shalt  }

</sc_bundles>
